<compile_context>
chip_gen: v7x
topology: tpu7x:2x2x1
jax: 0.10.2.dev20260603
libtpu: 0.0.44.dev20260713+nightly
codegen_flags: <defaults>
</compile_context>

<pallas_src>
import functools

import jax
import jax.numpy as jnp
from jax import lax
from jax.experimental import pallas as pl
from jax.experimental.pallas import tpu as pltpu
from jax.experimental.pallas import tpu_sc as plsc

NUM_CODES = 1024
DIM = 64
TOK = 1024
N_STEPS = 16
N_TOK = N_STEPS * TOK
N_ELEM = N_TOK * DIM
COMMIT = 0.25
EPS = 1e-10


def _vq_body(x_ref, w_ref, qst_ref, idx_ref, scal_ref, wt_s, wb_s, w2_s,
             ci_s, sse_s):
    i = pl.program_id(0)

    @pl.when(i == 0)
    def _init():
        w = w_ref[...]
        wt_s[...] = w.T.astype(jnp.bfloat16)
        wb_s[...] = -2.0 * w.astype(jnp.bfloat16)
        w2_s[...] = jnp.sum(w * w, axis=1, keepdims=True)
        ci_s[...] = lax.broadcasted_iota(jnp.int32, (NUM_CODES, 1), 0
                                         ).astype(jnp.float32)
        sse_s[...] = jnp.zeros_like(sse_s)

    xb = x_ref[0]
    x2 = jnp.sum(xb * xb, axis=0, keepdims=True)
    mmn = jnp.dot(wb_s[...], xb.astype(jnp.bfloat16),
                  preferred_element_type=jnp.float32)
    d = (x2 + w2_s[...]) + mmn
    dmin = jnp.min(d, axis=0, keepdims=True)
    cif = ci_s[...]
    idxf = jnp.min(jnp.where(d == dmin, cif, 2048.0),
                   axis=0, keepdims=True)
    idx_ref[0] = idxf.astype(jnp.int32)
    hit = (cif == idxf).astype(jnp.bfloat16)
    qt = jnp.dot(wt_s[...], hit,
                 preferred_element_type=jnp.float32)
    e = qt - xb
    qst_ref[0] = xb + e
    sse_s[...] += jnp.sum(e * e, axis=(0, 1), keepdims=True)

    @pl.when(i == N_STEPS - 1)
    def _fin():
        loss = (1.0 + COMMIT) * sse_s[...] / N_ELEM
        scal_ref[...] = jnp.broadcast_to(loss, (1, 128))


_SC_CORES = 2
_SC_WORKERS = 32
_BPW = N_TOK // _SC_WORKERS
_LANES = 16


@functools.partial(
    pl.kernel,
    mesh=plsc.VectorSubcoreMesh(core_axis_name="c", subcore_axis_name="s"),
    out_type=jax.ShapeDtypeStruct((_SC_WORKERS, NUM_CODES), jnp.float32),
    scratch_types=[
        pltpu.VMEM((_BPW,), jnp.int32),
        pltpu.VMEM((NUM_CODES,), jnp.float32),
    ],
    compiler_params=pltpu.CompilerParams(needs_layout_passes=False),
)
def _sc_hist(idx_hbm, cnt_hbm, idx_v, cnt_v):
    wid = lax.axis_index("s") * _SC_CORES + lax.axis_index("c")
    pltpu.sync_copy(idx_hbm.at[pl.ds(wid * _BPW, _BPW)], idx_v)
    for j in range(NUM_CODES // _LANES):
        cnt_v[pl.ds(j * _LANES, _LANES)] = jnp.zeros((_LANES,), jnp.float32)
    ones = jnp.full((_LANES,), 1.0, jnp.float32)
    for j in range(_BPW // _LANES):
        iv = idx_v[pl.ds(j * _LANES, _LANES)]
        plsc.addupdate_scatter(cnt_v, [iv], ones)
    pltpu.sync_copy(cnt_v, cnt_hbm.at[wid])


def _perp_body(cnt_ref, out_ref):
    cnts = jnp.sum(cnt_ref[...], axis=0, keepdims=True)
    p = cnts * (1.0 / N_TOK)
    s = jnp.sum(p * jnp.log(p + EPS), axis=1, keepdims=True)
    out_ref[...] = jnp.broadcast_to(jnp.exp(-s), (1, 128))


def kernel(x, embedding_weight):
    B, C, H, W = x.shape
    xr = x.reshape(B, C, H * W)
    qst, idx, scal = pl.pallas_call(
        _vq_body,
        grid=(N_STEPS,),
        in_specs=[
            pl.BlockSpec((1, DIM, TOK), lambda i: (i, 0, 0)),
            pl.BlockSpec((NUM_CODES, DIM), lambda i: (0, 0)),
        ],
        out_specs=[
            pl.BlockSpec((1, DIM, TOK), lambda i: (i, 0, 0)),
            pl.BlockSpec((1, 1, TOK), lambda i: (i, 0, 0)),
            pl.BlockSpec((1, 128), lambda i: (0, 0)),
        ],
        out_shape=[
            jax.ShapeDtypeStruct((B, DIM, TOK), jnp.float32),
            jax.ShapeDtypeStruct((B, 1, TOK), jnp.int32),
            jax.ShapeDtypeStruct((1, 128), jnp.float32),
        ],
        scratch_shapes=[
            pltpu.VMEM((DIM, NUM_CODES), jnp.bfloat16),
            pltpu.VMEM((NUM_CODES, DIM), jnp.bfloat16),
            pltpu.VMEM((NUM_CODES, 1), jnp.float32),
            pltpu.VMEM((NUM_CODES, 1), jnp.float32),
            pltpu.VMEM((1, 1), jnp.float32),
        ],
    )(xr, embedding_weight)
    quantized_st = qst.reshape(B, C, H, W)
    idx_out = idx.reshape(B, H, W)
    cnt32 = _sc_hist(idx.reshape(N_TOK))
    perp = pl.pallas_call(
        _perp_body,
        out_shape=jax.ShapeDtypeStruct((1, 128), jnp.float32),
    )(cnt32)
    loss = scal[0, 0]
    perplexity = perp[0, 0]
    return (quantized_st, loss, perplexity, idx_out)

# --- scband reference (transcript-rebuilt; emitter-appended) ---
"""Pipeline reference for scband-vector-quantizer-12232066859402 (READ-ONLY COPY).

The authoritative reference and input builder live on the scoring server;
editing this copy changes nothing except your own understanding.
"""

import jax, jax.numpy as jnp
import numpy as np

NUM_EMBEDDINGS = 1024
EMBEDDING_DIM = 64
COMMITMENT_COST = 0.25
EPS = 1e-10


def setup_inputs(seed: int = 0) -> dict:
    key = jax.random.key(seed)
    k1, k2 = jax.random.split(key)
    x = jax.random.normal(k1, (16, EMBEDDING_DIM, 32, 32), dtype=jnp.float32)
    bound = 1.0 / NUM_EMBEDDINGS
    embedding_weight = jax.random.uniform(
        k2, (NUM_EMBEDDINGS, EMBEDDING_DIM), dtype=jnp.float32,
        minval=-bound, maxval=bound)
    return {"x": x, "embedding_weight": embedding_weight}


def reference(x, embedding_weight):
    B, C, H, W = x.shape
    x_perm = jnp.transpose(x, (0, 2, 3, 1))
    flat_x = x_perm.reshape(-1, C)
    distances = (jnp.sum(flat_x ** 2, axis=1, keepdims=True)
                 + jnp.sum(embedding_weight ** 2, axis=1)
                 - 2.0 * flat_x @ embedding_weight.T)
    encoding_indices = jnp.argmin(distances, axis=1)
    encodings = jax.nn.one_hot(encoding_indices, NUM_EMBEDDINGS, dtype=flat_x.dtype)
    quantized = encodings @ embedding_weight
    quantized = jnp.transpose(quantized.reshape(B, H, W, C), (0, 3, 1, 2))
    quantized_st = x + jax.lax.stop_gradient(quantized - x)
    e_latent_loss = jnp.mean((jax.lax.stop_gradient(quantized) - x) ** 2)
    q_latent_loss = jnp.mean((quantized - jax.lax.stop_gradient(x)) ** 2)
    loss = q_latent_loss + COMMITMENT_COST * e_latent_loss
    avg_probs = jnp.mean(encodings, axis=0)
    perplexity = jnp.exp(-jnp.sum(avg_probs * jnp.log(avg_probs + EPS)))
    idx_out = encoding_indices.reshape(B, H, W)
    return (quantized_st, loss, perplexity, idx_out)

if __name__ == "__main__":
    import jax
    _d = setup_inputs()
    print(jax.jit(kernel)(*tuple(_d.values())))

</pallas_src>

<mosaic_0001>
#map = affine_map<(d0, d1) -> (0)>
#map1 = affine_map<(d0, d1) -> (0, 0)>
module attributes {stable_mosaic.version = 14 : i64} {
  func.func @_sc_hist(%arg0: i32, %arg1: i32, %arg2: memref<16384xi32, #tpu.memory_space<hbm>>, %arg3: memref<32x1024xf32, #tpu.memory_space<hbm>>, %arg4: memref<512xi32, #tpu.memory_space<vmem>>, %arg5: memref<1024xf32, #tpu.memory_space<vmem>>) attributes {dimension_semantics = [#tpu.dimension_semantics<core_parallel>, #tpu.dimension_semantics<subcore_parallel>], iteration_bounds = array<i64: 2, 16>, scalar_prefetch = 0 : i64, scratch_operands = 2 : i64, tpu.core_type = #tpu.core_type<sc_vector_subcore>, window_params = [{transform_indices = #map}, {transform_indices = #map1}]} {
    %mul3A = arith.constant 2 : i32
    %mul3A_0 = arith.muli %arg1, %mul3A : i32
    %add3A = arith.addi %mul3A_0, %arg0 : i32
    %mul3A_1 = arith.constant 512 : i32
    %mul3A_2 = arith.muli %add3A, %mul3A_1 : i32
    "tpu.region"() ({
      %run_scoped3A = tpu.sem_alloc : memref<!tpu.dma_semaphore, #tpu.memory_space<semaphore_mem>>
      %dma_start3A = tpu.memref_slice %arg2[%mul3A_2] : memref<16384xi32, #tpu.memory_space<hbm>> -> memref<512xi32, #tpu.memory_space<hbm>>
      %dma_start3A_322 = tpu.memref_slice %arg2[%mul3A_2] : memref<16384xi32, #tpu.memory_space<hbm>> -> memref<512xi32, #tpu.memory_space<hbm>>
      tpu.enqueue_dma source(%dma_start3A_322 : memref<512xi32, #tpu.memory_space<hbm>>) target(%arg4 : memref<512xi32, #tpu.memory_space<vmem>>) target_semaphore(%run_scoped3A : memref<!tpu.dma_semaphore, #tpu.memory_space<semaphore_mem>>)
      %dma_wait3A = tpu.memref_slice %arg2[%mul3A_2] : memref<16384xi32, #tpu.memory_space<hbm>> -> memref<512xi32, #tpu.memory_space<hbm>>
      %dma_wait3A_323 = tpu.memref_slice %arg2[%mul3A_2] : memref<16384xi32, #tpu.memory_space<hbm>> -> memref<512xi32, #tpu.memory_space<hbm>>
      tpu.wait_dma2 semaphore(%run_scoped3A : memref<!tpu.dma_semaphore, #tpu.memory_space<semaphore_mem>>) src(%dma_wait3A_323 : memref<512xi32, #tpu.memory_space<hbm>>) dst(%arg4 : memref<512xi32, #tpu.memory_space<vmem>>)
      tpu.yield
    }) : () -> ()
    %broadcast_in_dim3A = arith.constant 0.000000e+00 : f32
    %broadcast_in_dim3A_3 = vector.broadcast %broadcast_in_dim3A : f32 to vector<16xf32>
    %swap3A = arith.constant 0 : index
    %swap3A_4 = tpu.vector_load %arg5[%swap3A] {strides = array<i32>} : memref<1024xf32, #tpu.memory_space<vmem>>, vector<16xf32>,
    tpu.vector_store %arg5[%swap3A], %broadcast_in_dim3A_3 {strides = array<i32>} : memref<1024xf32, #tpu.memory_space<vmem>>, vector<16xf32>,
    %broadcast_in_dim3A_5 = arith.constant 0.000000e+00 : f32
    %broadcast_in_dim3A_6 = vector.broadcast %broadcast_in_dim3A_5 : f32 to vector<16xf32>
    %swap3A_7 = arith.constant 16 : index
    %swap3A_8 = tpu.vector_load %arg5[%swap3A_7] {strides = array<i32>} : memref<1024xf32, #tpu.memory_space<vmem>>, vector<16xf32>,
    tpu.vector_store %arg5[%swap3A_7], %broadcast_in_dim3A_6 {strides = array<i32>} : memref<1024xf32, #tpu.memory_space<vmem>>, vector<16xf32>,
    %broadcast_in_dim3A_9 = arith.constant 0.000000e+00 : f32
    %broadcast_in_dim3A_10 = vector.broadcast %broadcast_in_dim3A_9 : f32 to vector<16xf32>
    %swap3A_11 = arith.constant 32 : index
    %swap3A_12 = tpu.vector_load %arg5[%swap3A_11] {strides = array<i32>} : memref<1024xf32, #tpu.memory_space<vmem>>, vector<16xf32>,
    tpu.vector_store %arg5[%swap3A_11], %broadcast_in_dim3A_10 {strides = array<i32>} : memref<1024xf32, #tpu.memory_space<vmem>>, vector<16xf32>,
    %broadcast_in_dim3A_13 = arith.constant 0.000000e+00 : f32
    %broadcast_in_dim3A_14 = vector.broadcast %broadcast_in_dim3A_13 : f32 to vector<16xf32>
    %swap3A_15 = arith.constant 48 : index
    %swap3A_16 = tpu.vector_load %arg5[%swap3A_15] {strides = array<i32>} : memref<1024xf32, #tpu.memory_space<vmem>>, vector<16xf32>,
    tpu.vector_store %arg5[%swap3A_15], %broadcast_in_dim3A_14 {strides = array<i32>} : memref<1024xf32, #tpu.memory_space<vmem>>, vector<16xf32>,
    %broadcast_in_dim3A_17 = arith.constant 0.000000e+00 : f32
    %broadcast_in_dim3A_18 = vector.broadcast %broadcast_in_dim3A_17 : f32 to vector<16xf32>
    %swap3A_19 = arith.constant 64 : index
    %swap3A_20 = tpu.vector_load %arg5[%swap3A_19] {strides = array<i32>} : memref<1024xf32, #tpu.memory_space<vmem>>, vector<16xf32>,
    tpu.vector_store %arg5[%swap3A_19], %broadcast_in_dim3A_18 {strides = array<i32>} : memref<1024xf32, #tpu.memory_space<vmem>>, vector<16xf32>,
    %broadcast_in_dim3A_21 = arith.constant 0.000000e+00 : f32
    %broadcast_in_dim3A_22 = vector.broadcast %broadcast_in_dim3A_21 : f32 to vector<16xf32>
    %swap3A_23 = arith.constant 80 : index
    %swap3A_24 = tpu.vector_load %arg5[%swap3A_23] {strides = array<i32>} : memref<1024xf32, #tpu.memory_space<vmem>>, vector<16xf32>,
    tpu.vector_store %arg5[%swap3A_23], %broadcast_in_dim3A_22 {strides = array<i32>} : memref<1024xf32, #tpu.memory_space<vmem>>, vector<16xf32>,
    %broadcast_in_dim3A_25 = arith.constant 0.000000e+00 : f32
    %broadcast_in_dim3A_26 = vector.broadcast %broadcast_in_dim3A_25 : f32 to vector<16xf32>
    %swap3A_27 = arith.constant 96 : index
    %swap3A_28 = tpu.vector_load %arg5[%swap3A_27] {strides = array<i32>} : memref<1024xf32, #tpu.memory_space<vmem>>, vector<16xf32>,
    tpu.vector_store %arg5[%swap3A_27], %broadcast_in_dim3A_26 {strides = array<i32>} : memref<1024xf32, #tpu.memory_space<vmem>>, vector<16xf32>,
    %broadcast_in_dim3A_29 = arith.constant 0.000000e+00 : f32
    %broadcast_in_dim3A_30 = vector.broadcast %broadcast_in_dim3A_29 : f32 to vector<16xf32>
    %swap3A_31 = arith.constant 112 : index
    %swap3A_32 = tpu.vector_load %arg5[%swap3A_31] {strides = array<i32>} : memref<1024xf32, #tpu.memory_space<vmem>>, vector<16xf32>,
    tpu.vector_store %arg5[%swap3A_31], %broadcast_in_dim3A_30 {strides = array<i32>} : memref<1024xf32, #tpu.memory_space<vmem>>, vector<16xf32>,
    %broadcast_in_dim3A_33 = arith.constant 0.000000e+00 : f32
    %broadcast_in_dim3A_34 = vector.broadcast %broadcast_in_dim3A_33 : f32 to vector<16xf32>
    %swap3A_35 = arith.constant 128 : index
    %swap3A_36 = tpu.vector_load %arg5[%swap3A_35] {strides = array<i32>} : memref<1024xf32, #tpu.memory_space<vmem>>, vector<16xf32>,
    tpu.vector_store %arg5[%swap3A_35], %broadcast_in_dim3A_34 {strides = array<i32>} : memref<1024xf32, #tpu.memory_space<vmem>>, vector<16xf32>,
    %broadcast_in_dim3A_37 = arith.constant 0.000000e+00 : f32
    %broadcast_in_dim3A_38 = vector.broadcast %broadcast_in_dim3A_37 : f32 to vector<16xf32>
    %swap3A_39 = arith.constant 144 : index
    %swap3A_40 = tpu.vector_load %arg5[%swap3A_39] {strides = array<i32>} : memref<1024xf32, #tpu.memory_space<vmem>>, vector<16xf32>,
    tpu.vector_store %arg5[%swap3A_39], %broadcast_in_dim3A_38 {strides = array<i32>} : memref<1024xf32, #tpu.memory_space<vmem>>, vector<16xf32>,
    %broadcast_in_dim3A_41 = arith.constant 0.000000e+00 : f32
    %broadcast_in_dim3A_42 = vector.broadcast %broadcast_in_dim3A_41 : f32 to vector<16xf32>
    %swap3A_43 = arith.constant 160 : index
    %swap3A_44 = tpu.vector_load %arg5[%swap3A_43] {strides = array<i32>} : memref<1024xf32, #tpu.memory_space<vmem>>, vector<16xf32>,
    tpu.vector_store %arg5[%swap3A_43], %broadcast_in_dim3A_42 {strides = array<i32>} : memref<1024xf32, #tpu.memory_space<vmem>>, vector<16xf32>,
    %broadcast_in_dim3A_45 = arith.constant 0.000000e+00 : f32
    %broadcast_in_dim3A_46 = vector.broadcast %broadcast_in_dim3A_45 : f32 to vector<16xf32>
    %swap3A_47 = arith.constant 176 : index
    %swap3A_48 = tpu.vector_load %arg5[%swap3A_47] {strides = array<i32>} : memref<1024xf32, #tpu.memory_space<vmem>>, vector<16xf32>,
    tpu.vector_store %arg5[%swap3A_47], %broadcast_in_dim3A_46 {strides = array<i32>} : memref<1024xf32, #tpu.memory_space<vmem>>, vector<16xf32>,
    %broadcast_in_dim3A_49 = arith.constant 0.000000e+00 : f32
    %broadcast_in_dim3A_50 = vector.broadcast %broadcast_in_dim3A_49 : f32 to vector<16xf32>
    %swap3A_51 = arith.constant 192 : index
    %swap3A_52 = tpu.vector_load %arg5[%swap3A_51] {strides = array<i32>} : memref<1024xf32, #tpu.memory_space<vmem>>, vector<16xf32>,
    tpu.vector_store %arg5[%swap3A_51], %broadcast_in_dim3A_50 {strides = array<i32>} : memref<1024xf32, #tpu.memory_space<vmem>>, vector<16xf32>,
    %broadcast_in_dim3A_53 = arith.constant 0.000000e+00 : f32
    %broadcast_in_dim3A_54 = vector.broadcast %broadcast_in_dim3A_53 : f32 to vector<16xf32>
    %swap3A_55 = arith.constant 208 : index
    %swap3A_56 = tpu.vector_load %arg5[%swap3A_55] {strides = array<i32>} : memref<1024xf32, #tpu.memory_space<vmem>>, vector<16xf32>,
    tpu.vector_store %arg5[%swap3A_55], %broadcast_in_dim3A_54 {strides = array<i32>} : memref<1024xf32, #tpu.memory_space<vmem>>, vector<16xf32>,
    %broadcast_in_dim3A_57 = arith.constant 0.000000e+00 : f32
    %broadcast_in_dim3A_58 = vector.broadcast %broadcast_in_dim3A_57 : f32 to vector<16xf32>
    %swap3A_59 = arith.constant 224 : index
    %swap3A_60 = tpu.vector_load %arg5[%swap3A_59] {strides = array<i32>} : memref<1024xf32, #tpu.memory_space<vmem>>, vector<16xf32>,
    tpu.vector_store %arg5[%swap3A_59], %broadcast_in_dim3A_58 {strides = array<i32>} : memref<1024xf32, #tpu.memory_space<vmem>>, vector<16xf32>,
    %broadcast_in_dim3A_61 = arith.constant 0.000000e+00 : f32
    %broadcast_in_dim3A_62 = vector.broadcast %broadcast_in_dim3A_61 : f32 to vector<16xf32>
    %swap3A_63 = arith.constant 240 : index
    %swap3A_64 = tpu.vector_load %arg5[%swap3A_63] {strides = array<i32>} : memref<1024xf32, #tpu.memory_space<vmem>>, vector<16xf32>,
    tpu.vector_store %arg5[%swap3A_63], %broadcast_in_dim3A_62 {strides = array<i32>} : memref<1024xf32, #tpu.memory_space<vmem>>, vector<16xf32>,
    %broadcast_in_dim3A_65 = arith.constant 0.000000e+00 : f32
    %broadcast_in_dim3A_66 = vector.broadcast %broadcast_in_dim3A_65 : f32 to vector<16xf32>
    %swap3A_67 = arith.constant 256 : index
    %swap3A_68 = tpu.vector_load %arg5[%swap3A_67] {strides = array<i32>} : memref<1024xf32, #tpu.memory_space<vmem>>, vector<16xf32>,
    tpu.vector_store %arg5[%swap3A_67], %broadcast_in_dim3A_66 {strides = array<i32>} : memref<1024xf32, #tpu.memory_space<vmem>>, vector<16xf32>,
    %broadcast_in_dim3A_69 = arith.constant 0.000000e+00 : f32
    %broadcast_in_dim3A_70 = vector.broadcast %broadcast_in_dim3A_69 : f32 to vector<16xf32>
    %swap3A_71 = arith.constant 272 : index
    %swap3A_72 = tpu.vector_load %arg5[%swap3A_71] {strides = array<i32>} : memref<1024xf32, #tpu.memory_space<vmem>>, vector<16xf32>,
    tpu.vector_store %arg5[%swap3A_71], %broadcast_in_dim3A_70 {strides = array<i32>} : memref<1024xf32, #tpu.memory_space<vmem>>, vector<16xf32>,
    %broadcast_in_dim3A_73 = arith.constant 0.000000e+00 : f32
    %broadcast_in_dim3A_74 = vector.broadcast %broadcast_in_dim3A_73 : f32 to vector<16xf32>
    %swap3A_75 = arith.constant 288 : index
    %swap3A_76 = tpu.vector_load %arg5[%swap3A_75] {strides = array<i32>} : memref<1024xf32, #tpu.memory_space<vmem>>, vector<16xf32>,
    tpu.vector_store %arg5[%swap3A_75], %broadcast_in_dim3A_74 {strides = array<i32>} : memref<1024xf32, #tpu.memory_space<vmem>>, vector<16xf32>,
    %broadcast_in_dim3A_77 = arith.constant 0.000000e+00 : f32
    %broadcast_in_dim3A_78 = vector.broadcast %broadcast_in_dim3A_77 : f32 to vector<16xf32>
    %swap3A_79 = arith.constant 304 : index
    %swap3A_80 = tpu.vector_load %arg5[%swap3A_79] {strides = array<i32>} : memref<1024xf32, #tpu.memory_space<vmem>>, vector<16xf32>,
    tpu.vector_store %arg5[%swap3A_79], %broadcast_in_dim3A_78 {strides = array<i32>} : memref<1024xf32, #tpu.memory_space<vmem>>, vector<16xf32>,
    %broadcast_in_dim3A_81 = arith.constant 0.000000e+00 : f32
    %broadcast_in_dim3A_82 = vector.broadcast %broadcast_in_dim3A_81 : f32 to vector<16xf32>
    %swap3A_83 = arith.constant 320 : index
    %swap3A_84 = tpu.vector_load %arg5[%swap3A_83] {strides = array<i32>} : memref<1024xf32, #tpu.memory_space<vmem>>, vector<16xf32>,
    tpu.vector_store %arg5[%swap3A_83], %broadcast_in_dim3A_82 {strides = array<i32>} : memref<1024xf32, #tpu.memory_space<vmem>>, vector<16xf32>,
    %broadcast_in_dim3A_85 = arith.constant 0.000000e+00 : f32
    %broadcast_in_dim3A_86 = vector.broadcast %broadcast_in_dim3A_85 : f32 to vector<16xf32>
    %swap3A_87 = arith.constant 336 : index
    %swap3A_88 = tpu.vector_load %arg5[%swap3A_87] {strides = array<i32>} : memref<1024xf32, #tpu.memory_space<vmem>>, vector<16xf32>,
    tpu.vector_store %arg5[%swap3A_87], %broadcast_in_dim3A_86 {strides = array<i32>} : memref<1024xf32, #tpu.memory_space<vmem>>, vector<16xf32>,
    %broadcast_in_dim3A_89 = arith.constant 0.000000e+00 : f32
    %broadcast_in_dim3A_90 = vector.broadcast %broadcast_in_dim3A_89 : f32 to vector<16xf32>
    %swap3A_91 = arith.constant 352 : index
    %swap3A_92 = tpu.vector_load %arg5[%swap3A_91] {strides = array<i32>} : memref<1024xf32, #tpu.memory_space<vmem>>, vector<16xf32>,
    tpu.vector_store %arg5[%swap3A_91], %broadcast_in_dim3A_90 {strides = array<i32>} : memref<1024xf32, #tpu.memory_space<vmem>>, vector<16xf32>,
    %broadcast_in_dim3A_93 = arith.constant 0.000000e+00 : f32
    %broadcast_in_dim3A_94 = vector.broadcast %broadcast_in_dim3A_93 : f32 to vector<16xf32>
    %swap3A_95 = arith.constant 368 : index
    %swap3A_96 = tpu.vector_load %arg5[%swap3A_95] {strides = array<i32>} : memref<1024xf32, #tpu.memory_space<vmem>>, vector<16xf32>,
    tpu.vector_store %arg5[%swap3A_95], %broadcast_in_dim3A_94 {strides = array<i32>} : memref<1024xf32, #tpu.memory_space<vmem>>, vector<16xf32>,
    %broadcast_in_dim3A_97 = arith.constant 0.000000e+00 : f32
    %broadcast_in_dim3A_98 = vector.broadcast %broadcast_in_dim3A_97 : f32 to vector<16xf32>
    %swap3A_99 = arith.constant 384 : index
    %swap3A_100 = tpu.vector_load %arg5[%swap3A_99] {strides = array<i32>} : memref<1024xf32, #tpu.memory_space<vmem>>, vector<16xf32>,
    tpu.vector_store %arg5[%swap3A_99], %broadcast_in_dim3A_98 {strides = array<i32>} : memref<1024xf32, #tpu.memory_space<vmem>>, vector<16xf32>,
    %broadcast_in_dim3A_101 = arith.constant 0.000000e+00 : f32
    %broadcast_in_dim3A_102 = vector.broadcast %broadcast_in_dim3A_101 : f32 to vector<16xf32>
    %swap3A_103 = arith.constant 400 : index
    %swap3A_104 = tpu.vector_load %arg5[%swap3A_103] {strides = array<i32>} : memref<1024xf32, #tpu.memory_space<vmem>>, vector<16xf32>,
    tpu.vector_store %arg5[%swap3A_103], %broadcast_in_dim3A_102 {strides = array<i32>} : memref<1024xf32, #tpu.memory_space<vmem>>, vector<16xf32>,
    %broadcast_in_dim3A_105 = arith.constant 0.000000e+00 : f32
    %broadcast_in_dim3A_106 = vector.broadcast %broadcast_in_dim3A_105 : f32 to vector<16xf32>
    %swap3A_107 = arith.constant 416 : index
    %swap3A_108 = tpu.vector_load %arg5[%swap3A_107] {strides = array<i32>} : memref<1024xf32, #tpu.memory_space<vmem>>, vector<16xf32>,
    tpu.vector_store %arg5[%swap3A_107], %broadcast_in_dim3A_106 {strides = array<i32>} : memref<1024xf32, #tpu.memory_space<vmem>>, vector<16xf32>,
    %broadcast_in_dim3A_109 = arith.constant 0.000000e+00 : f32
    %broadcast_in_dim3A_110 = vector.broadcast %broadcast_in_dim3A_109 : f32 to vector<16xf32>
    %swap3A_111 = arith.constant 432 : index
    %swap3A_112 = tpu.vector_load %arg5[%swap3A_111] {strides = array<i32>} : memref<1024xf32, #tpu.memory_space<vmem>>, vector<16xf32>,
    tpu.vector_store %arg5[%swap3A_111], %broadcast_in_dim3A_110 {strides = array<i32>} : memref<1024xf32, #tpu.memory_space<vmem>>, vector<16xf32>,
    %broadcast_in_dim3A_113 = arith.constant 0.000000e+00 : f32
    %broadcast_in_dim3A_114 = vector.broadcast %broadcast_in_dim3A_113 : f32 to vector<16xf32>
    %swap3A_115 = arith.constant 448 : index
    %swap3A_116 = tpu.vector_load %arg5[%swap3A_115] {strides = array<i32>} : memref<1024xf32, #tpu.memory_space<vmem>>, vector<16xf32>,
    tpu.vector_store %arg5[%swap3A_115], %broadcast_in_dim3A_114 {strides = array<i32>} : memref<1024xf32, #tpu.memory_space<vmem>>, vector<16xf32>,
    %broadcast_in_dim3A_117 = arith.constant 0.000000e+00 : f32
    %broadcast_in_dim3A_118 = vector.broadcast %broadcast_in_dim3A_117 : f32 to vector<16xf32>
    %swap3A_119 = arith.constant 464 : index
    %swap3A_120 = tpu.vector_load %arg5[%swap3A_119] {strides = array<i32>} : memref<1024xf32, #tpu.memory_space<vmem>>, vector<16xf32>,
    tpu.vector_store %arg5[%swap3A_119], %broadcast_in_dim3A_118 {strides = array<i32>} : memref<1024xf32, #tpu.memory_space<vmem>>, vector<16xf32>,
    %broadcast_in_dim3A_121 = arith.constant 0.000000e+00 : f32
    %broadcast_in_dim3A_122 = vector.broadcast %broadcast_in_dim3A_121 : f32 to vector<16xf32>
    %swap3A_123 = arith.constant 480 : index
    %swap3A_124 = tpu.vector_load %arg5[%swap3A_123] {strides = array<i32>} : memref<1024xf32, #tpu.memory_space<vmem>>, vector<16xf32>,
    tpu.vector_store %arg5[%swap3A_123], %broadcast_in_dim3A_122 {strides = array<i32>} : memref<1024xf32, #tpu.memory_space<vmem>>, vector<16xf32>,
    %broadcast_in_dim3A_125 = arith.constant 0.000000e+00 : f32
    %broadcast_in_dim3A_126 = vector.broadcast %broadcast_in_dim3A_125 : f32 to vector<16xf32>
    %swap3A_127 = arith.constant 496 : index
    %swap3A_128 = tpu.vector_load %arg5[%swap3A_127] {strides = array<i32>} : memref<1024xf32, #tpu.memory_space<vmem>>, vector<16xf32>,
    tpu.vector_store %arg5[%swap3A_127], %broadcast_in_dim3A_126 {strides = array<i32>} : memref<1024xf32, #tpu.memory_space<vmem>>, vector<16xf32>,
    %broadcast_in_dim3A_129 = arith.constant 0.000000e+00 : f32
    %broadcast_in_dim3A_130 = vector.broadcast %broadcast_in_dim3A_129 : f32 to vector<16xf32>
    %swap3A_131 = arith.constant 512 : index
    %swap3A_132 = tpu.vector_load %arg5[%swap3A_131] {strides = array<i32>} : memref<1024xf32, #tpu.memory_space<vmem>>, vector<16xf32>,
    tpu.vector_store %arg5[%swap3A_131], %broadcast_in_dim3A_130 {strides = array<i32>} : memref<1024xf32, #tpu.memory_space<vmem>>, vector<16xf32>,
    %broadcast_in_dim3A_133 = arith.constant 0.000000e+00 : f32
    %broadcast_in_dim3A_134 = vector.broadcast %broadcast_in_dim3A_133 : f32 to vector<16xf32>
    %swap3A_135 = arith.constant 528 : index
    %swap3A_136 = tpu.vector_load %arg5[%swap3A_135] {strides = array<i32>} : memref<1024xf32, #tpu.memory_space<vmem>>, vector<16xf32>,
    tpu.vector_store %arg5[%swap3A_135], %broadcast_in_dim3A_134 {strides = array<i32>} : memref<1024xf32, #tpu.memory_space<vmem>>, vector<16xf32>,
    %broadcast_in_dim3A_137 = arith.constant 0.000000e+00 : f32
    %broadcast_in_dim3A_138 = vector.broadcast %broadcast_in_dim3A_137 : f32 to vector<16xf32>
    %swap3A_139 = arith.constant 544 : index
    %swap3A_140 = tpu.vector_load %arg5[%swap3A_139] {strides = array<i32>} : memref<1024xf32, #tpu.memory_space<vmem>>, vector<16xf32>,
    tpu.vector_store %arg5[%swap3A_139], %broadcast_in_dim3A_138 {strides = array<i32>} : memref<1024xf32, #tpu.memory_space<vmem>>, vector<16xf32>,
    %broadcast_in_dim3A_141 = arith.constant 0.000000e+00 : f32
    %broadcast_in_dim3A_142 = vector.broadcast %broadcast_in_dim3A_141 : f32 to vector<16xf32>
    %swap3A_143 = arith.constant 560 : index
    %swap3A_144 = tpu.vector_load %arg5[%swap3A_143] {strides = array<i32>} : memref<1024xf32, #tpu.memory_space<vmem>>, vector<16xf32>,
    tpu.vector_store %arg5[%swap3A_143], %broadcast_in_dim3A_142 {strides = array<i32>} : memref<1024xf32, #tpu.memory_space<vmem>>, vector<16xf32>,
    %broadcast_in_dim3A_145 = arith.constant 0.000000e+00 : f32
    %broadcast_in_dim3A_146 = vector.broadcast %broadcast_in_dim3A_145 : f32 to vector<16xf32>
    %swap3A_147 = arith.constant 576 : index
    %swap3A_148 = tpu.vector_load %arg5[%swap3A_147] {strides = array<i32>} : memref<1024xf32, #tpu.memory_space<vmem>>, vector<16xf32>,
    tpu.vector_store %arg5[%swap3A_147], %broadcast_in_dim3A_146 {strides = array<i32>} : memref<1024xf32, #tpu.memory_space<vmem>>, vector<16xf32>,
    %broadcast_in_dim3A_149 = arith.constant 0.000000e+00 : f32
    %broadcast_in_dim3A_150 = vector.broadcast %broadcast_in_dim3A_149 : f32 to vector<16xf32>
    %swap3A_151 = arith.constant 592 : index
    %swap3A_152 = tpu.vector_load %arg5[%swap3A_151] {strides = array<i32>} : memref<1024xf32, #tpu.memory_space<vmem>>, vector<16xf32>,
    tpu.vector_store %arg5[%swap3A_151], %broadcast_in_dim3A_150 {strides = array<i32>} : memref<1024xf32, #tpu.memory_space<vmem>>, vector<16xf32>,
    %broadcast_in_dim3A_153 = arith.constant 0.000000e+00 : f32
    %broadcast_in_dim3A_154 = vector.broadcast %broadcast_in_dim3A_153 : f32 to vector<16xf32>
    %swap3A_155 = arith.constant 608 : index
    %swap3A_156 = tpu.vector_load %arg5[%swap3A_155] {strides = array<i32>} : memref<1024xf32, #tpu.memory_space<vmem>>, vector<16xf32>,
    tpu.vector_store %arg5[%swap3A_155], %broadcast_in_dim3A_154 {strides = array<i32>} : memref<1024xf32, #tpu.memory_space<vmem>>, vector<16xf32>,
    %broadcast_in_dim3A_157 = arith.constant 0.000000e+00 : f32
    %broadcast_in_dim3A_158 = vector.broadcast %broadcast_in_dim3A_157 : f32 to vector<16xf32>
    %swap3A_159 = arith.constant 624 : index
    %swap3A_160 = tpu.vector_load %arg5[%swap3A_159] {strides = array<i32>} : memref<1024xf32, #tpu.memory_space<vmem>>, vector<16xf32>,
    tpu.vector_store %arg5[%swap3A_159], %broadcast_in_dim3A_158 {strides = array<i32>} : memref<1024xf32, #tpu.memory_space<vmem>>, vector<16xf32>,
    %broadcast_in_dim3A_161 = arith.constant 0.000000e+00 : f32
    %broadcast_in_dim3A_162 = vector.broadcast %broadcast_in_dim3A_161 : f32 to vector<16xf32>
    %swap3A_163 = arith.constant 640 : index
    %swap3A_164 = tpu.vector_load %arg5[%swap3A_163] {strides = array<i32>} : memref<1024xf32, #tpu.memory_space<vmem>>, vector<16xf32>,
    tpu.vector_store %arg5[%swap3A_163], %broadcast_in_dim3A_162 {strides = array<i32>} : memref<1024xf32, #tpu.memory_space<vmem>>, vector<16xf32>,
    %broadcast_in_dim3A_165 = arith.constant 0.000000e+00 : f32
    %broadcast_in_dim3A_166 = vector.broadcast %broadcast_in_dim3A_165 : f32 to vector<16xf32>
    %swap3A_167 = arith.constant 656 : index
    %swap3A_168 = tpu.vector_load %arg5[%swap3A_167] {strides = array<i32>} : memref<1024xf32, #tpu.memory_space<vmem>>, vector<16xf32>,
    tpu.vector_store %arg5[%swap3A_167], %broadcast_in_dim3A_166 {strides = array<i32>} : memref<1024xf32, #tpu.memory_space<vmem>>, vector<16xf32>,
    %broadcast_in_dim3A_169 = arith.constant 0.000000e+00 : f32
    %broadcast_in_dim3A_170 = vector.broadcast %broadcast_in_dim3A_169 : f32 to vector<16xf32>
    %swap3A_171 = arith.constant 672 : index
    %swap3A_172 = tpu.vector_load %arg5[%swap3A_171] {strides = array<i32>} : memref<1024xf32, #tpu.memory_space<vmem>>, vector<16xf32>,
    tpu.vector_store %arg5[%swap3A_171], %broadcast_in_dim3A_170 {strides = array<i32>} : memref<1024xf32, #tpu.memory_space<vmem>>, vector<16xf32>,
    %broadcast_in_dim3A_173 = arith.constant 0.000000e+00 : f32
    %broadcast_in_dim3A_174 = vector.broadcast %broadcast_in_dim3A_173 : f32 to vector<16xf32>
    %swap3A_175 = arith.constant 688 : index
    %swap3A_176 = tpu.vector_load %arg5[%swap3A_175] {strides = array<i32>} : memref<1024xf32, #tpu.memory_space<vmem>>, vector<16xf32>,
    tpu.vector_store %arg5[%swap3A_175], %broadcast_in_dim3A_174 {strides = array<i32>} : memref<1024xf32, #tpu.memory_space<vmem>>, vector<16xf32>,
    %broadcast_in_dim3A_177 = arith.constant 0.000000e+00 : f32
    %broadcast_in_dim3A_178 = vector.broadcast %broadcast_in_dim3A_177 : f32 to vector<16xf32>
    %swap3A_179 = arith.constant 704 : index
    %swap3A_180 = tpu.vector_load %arg5[%swap3A_179] {strides = array<i32>} : memref<1024xf32, #tpu.memory_space<vmem>>, vector<16xf32>,
    tpu.vector_store %arg5[%swap3A_179], %broadcast_in_dim3A_178 {strides = array<i32>} : memref<1024xf32, #tpu.memory_space<vmem>>, vector<16xf32>,
    %broadcast_in_dim3A_181 = arith.constant 0.000000e+00 : f32
    %broadcast_in_dim3A_182 = vector.broadcast %broadcast_in_dim3A_181 : f32 to vector<16xf32>
    %swap3A_183 = arith.constant 720 : index
    %swap3A_184 = tpu.vector_load %arg5[%swap3A_183] {strides = array<i32>} : memref<1024xf32, #tpu.memory_space<vmem>>, vector<16xf32>,
    tpu.vector_store %arg5[%swap3A_183], %broadcast_in_dim3A_182 {strides = array<i32>} : memref<1024xf32, #tpu.memory_space<vmem>>, vector<16xf32>,
    %broadcast_in_dim3A_185 = arith.constant 0.000000e+00 : f32
    %broadcast_in_dim3A_186 = vector.broadcast %broadcast_in_dim3A_185 : f32 to vector<16xf32>
    %swap3A_187 = arith.constant 736 : index
    %swap3A_188 = tpu.vector_load %arg5[%swap3A_187] {strides = array<i32>} : memref<1024xf32, #tpu.memory_space<vmem>>, vector<16xf32>,
    tpu.vector_store %arg5[%swap3A_187], %broadcast_in_dim3A_186 {strides = array<i32>} : memref<1024xf32, #tpu.memory_space<vmem>>, vector<16xf32>,
    %broadcast_in_dim3A_189 = arith.constant 0.000000e+00 : f32
    %broadcast_in_dim3A_190 = vector.broadcast %broadcast_in_dim3A_189 : f32 to vector<16xf32>
    %swap3A_191 = arith.constant 752 : index
    %swap3A_192 = tpu.vector_load %arg5[%swap3A_191] {strides = array<i32>} : memref<1024xf32, #tpu.memory_space<vmem>>, vector<16xf32>,
    tpu.vector_store %arg5[%swap3A_191], %broadcast_in_dim3A_190 {strides = array<i32>} : memref<1024xf32, #tpu.memory_space<vmem>>, vector<16xf32>,
    %broadcast_in_dim3A_193 = arith.constant 0.000000e+00 : f32
    %broadcast_in_dim3A_194 = vector.broadcast %broadcast_in_dim3A_193 : f32 to vector<16xf32>
    %swap3A_195 = arith.constant 768 : index
    %swap3A_196 = tpu.vector_load %arg5[%swap3A_195] {strides = array<i32>} : memref<1024xf32, #tpu.memory_space<vmem>>, vector<16xf32>,
    tpu.vector_store %arg5[%swap3A_195], %broadcast_in_dim3A_194 {strides = array<i32>} : memref<1024xf32, #tpu.memory_space<vmem>>, vector<16xf32>,
    %broadcast_in_dim3A_197 = arith.constant 0.000000e+00 : f32
    %broadcast_in_dim3A_198 = vector.broadcast %broadcast_in_dim3A_197 : f32 to vector<16xf32>
    %swap3A_199 = arith.constant 784 : index
    %swap3A_200 = tpu.vector_load %arg5[%swap3A_199] {strides = array<i32>} : memref<1024xf32, #tpu.memory_space<vmem>>, vector<16xf32>,
    tpu.vector_store %arg5[%swap3A_199], %broadcast_in_dim3A_198 {strides = array<i32>} : memref<1024xf32, #tpu.memory_space<vmem>>, vector<16xf32>,
    %broadcast_in_dim3A_201 = arith.constant 0.000000e+00 : f32
    %broadcast_in_dim3A_202 = vector.broadcast %broadcast_in_dim3A_201 : f32 to vector<16xf32>
    %swap3A_203 = arith.constant 800 : index
    %swap3A_204 = tpu.vector_load %arg5[%swap3A_203] {strides = array<i32>} : memref<1024xf32, #tpu.memory_space<vmem>>, vector<16xf32>,
    tpu.vector_store %arg5[%swap3A_203], %broadcast_in_dim3A_202 {strides = array<i32>} : memref<1024xf32, #tpu.memory_space<vmem>>, vector<16xf32>,
    %broadcast_in_dim3A_205 = arith.constant 0.000000e+00 : f32
    %broadcast_in_dim3A_206 = vector.broadcast %broadcast_in_dim3A_205 : f32 to vector<16xf32>
    %swap3A_207 = arith.constant 816 : index
    %swap3A_208 = tpu.vector_load %arg5[%swap3A_207] {strides = array<i32>} : memref<1024xf32, #tpu.memory_space<vmem>>, vector<16xf32>,
    tpu.vector_store %arg5[%swap3A_207], %broadcast_in_dim3A_206 {strides = array<i32>} : memref<1024xf32, #tpu.memory_space<vmem>>, vector<16xf32>,
    %broadcast_in_dim3A_209 = arith.constant 0.000000e+00 : f32
    %broadcast_in_dim3A_210 = vector.broadcast %broadcast_in_dim3A_209 : f32 to vector<16xf32>
    %swap3A_211 = arith.constant 832 : index
    %swap3A_212 = tpu.vector_load %arg5[%swap3A_211] {strides = array<i32>} : memref<1024xf32, #tpu.memory_space<vmem>>, vector<16xf32>,
    tpu.vector_store %arg5[%swap3A_211], %broadcast_in_dim3A_210 {strides = array<i32>} : memref<1024xf32, #tpu.memory_space<vmem>>, vector<16xf32>,
    %broadcast_in_dim3A_213 = arith.constant 0.000000e+00 : f32
    %broadcast_in_dim3A_214 = vector.broadcast %broadcast_in_dim3A_213 : f32 to vector<16xf32>
    %swap3A_215 = arith.constant 848 : index
    %swap3A_216 = tpu.vector_load %arg5[%swap3A_215] {strides = array<i32>} : memref<1024xf32, #tpu.memory_space<vmem>>, vector<16xf32>,
    tpu.vector_store %arg5[%swap3A_215], %broadcast_in_dim3A_214 {strides = array<i32>} : memref<1024xf32, #tpu.memory_space<vmem>>, vector<16xf32>,
    %broadcast_in_dim3A_217 = arith.constant 0.000000e+00 : f32
    %broadcast_in_dim3A_218 = vector.broadcast %broadcast_in_dim3A_217 : f32 to vector<16xf32>
    %swap3A_219 = arith.constant 864 : index
    %swap3A_220 = tpu.vector_load %arg5[%swap3A_219] {strides = array<i32>} : memref<1024xf32, #tpu.memory_space<vmem>>, vector<16xf32>,
    tpu.vector_store %arg5[%swap3A_219], %broadcast_in_dim3A_218 {strides = array<i32>} : memref<1024xf32, #tpu.memory_space<vmem>>, vector<16xf32>,
    %broadcast_in_dim3A_221 = arith.constant 0.000000e+00 : f32
    %broadcast_in_dim3A_222 = vector.broadcast %broadcast_in_dim3A_221 : f32 to vector<16xf32>
    %swap3A_223 = arith.constant 880 : index
    %swap3A_224 = tpu.vector_load %arg5[%swap3A_223] {strides = array<i32>} : memref<1024xf32, #tpu.memory_space<vmem>>, vector<16xf32>,
    tpu.vector_store %arg5[%swap3A_223], %broadcast_in_dim3A_222 {strides = array<i32>} : memref<1024xf32, #tpu.memory_space<vmem>>, vector<16xf32>,
    %broadcast_in_dim3A_225 = arith.constant 0.000000e+00 : f32
    %broadcast_in_dim3A_226 = vector.broadcast %broadcast_in_dim3A_225 : f32 to vector<16xf32>
    %swap3A_227 = arith.constant 896 : index
    %swap3A_228 = tpu.vector_load %arg5[%swap3A_227] {strides = array<i32>} : memref<1024xf32, #tpu.memory_space<vmem>>, vector<16xf32>,
    tpu.vector_store %arg5[%swap3A_227], %broadcast_in_dim3A_226 {strides = array<i32>} : memref<1024xf32, #tpu.memory_space<vmem>>, vector<16xf32>,
    %broadcast_in_dim3A_229 = arith.constant 0.000000e+00 : f32
    %broadcast_in_dim3A_230 = vector.broadcast %broadcast_in_dim3A_229 : f32 to vector<16xf32>
    %swap3A_231 = arith.constant 912 : index
    %swap3A_232 = tpu.vector_load %arg5[%swap3A_231] {strides = array<i32>} : memref<1024xf32, #tpu.memory_space<vmem>>, vector<16xf32>,
    tpu.vector_store %arg5[%swap3A_231], %broadcast_in_dim3A_230 {strides = array<i32>} : memref<1024xf32, #tpu.memory_space<vmem>>, vector<16xf32>,
    %broadcast_in_dim3A_233 = arith.constant 0.000000e+00 : f32
    %broadcast_in_dim3A_234 = vector.broadcast %broadcast_in_dim3A_233 : f32 to vector<16xf32>
    %swap3A_235 = arith.constant 928 : index
    %swap3A_236 = tpu.vector_load %arg5[%swap3A_235] {strides = array<i32>} : memref<1024xf32, #tpu.memory_space<vmem>>, vector<16xf32>,
    tpu.vector_store %arg5[%swap3A_235], %broadcast_in_dim3A_234 {strides = array<i32>} : memref<1024xf32, #tpu.memory_space<vmem>>, vector<16xf32>,
    %broadcast_in_dim3A_237 = arith.constant 0.000000e+00 : f32
    %broadcast_in_dim3A_238 = vector.broadcast %broadcast_in_dim3A_237 : f32 to vector<16xf32>
    %swap3A_239 = arith.constant 944 : index
    %swap3A_240 = tpu.vector_load %arg5[%swap3A_239] {strides = array<i32>} : memref<1024xf32, #tpu.memory_space<vmem>>, vector<16xf32>,
    tpu.vector_store %arg5[%swap3A_239], %broadcast_in_dim3A_238 {strides = array<i32>} : memref<1024xf32, #tpu.memory_space<vmem>>, vector<16xf32>,
    %broadcast_in_dim3A_241 = arith.constant 0.000000e+00 : f32
    %broadcast_in_dim3A_242 = vector.broadcast %broadcast_in_dim3A_241 : f32 to vector<16xf32>
    %swap3A_243 = arith.constant 960 : index
    %swap3A_244 = tpu.vector_load %arg5[%swap3A_243] {strides = array<i32>} : memref<1024xf32, #tpu.memory_space<vmem>>, vector<16xf32>,
    tpu.vector_store %arg5[%swap3A_243], %broadcast_in_dim3A_242 {strides = array<i32>} : memref<1024xf32, #tpu.memory_space<vmem>>, vector<16xf32>,
    %broadcast_in_dim3A_245 = arith.constant 0.000000e+00 : f32
    %broadcast_in_dim3A_246 = vector.broadcast %broadcast_in_dim3A_245 : f32 to vector<16xf32>
    %swap3A_247 = arith.constant 976 : index
    %swap3A_248 = tpu.vector_load %arg5[%swap3A_247] {strides = array<i32>} : memref<1024xf32, #tpu.memory_space<vmem>>, vector<16xf32>,
    tpu.vector_store %arg5[%swap3A_247], %broadcast_in_dim3A_246 {strides = array<i32>} : memref<1024xf32, #tpu.memory_space<vmem>>, vector<16xf32>,
    %broadcast_in_dim3A_249 = arith.constant 0.000000e+00 : f32
    %broadcast_in_dim3A_250 = vector.broadcast %broadcast_in_dim3A_249 : f32 to vector<16xf32>
    %swap3A_251 = arith.constant 992 : index
    %swap3A_252 = tpu.vector_load %arg5[%swap3A_251] {strides = array<i32>} : memref<1024xf32, #tpu.memory_space<vmem>>, vector<16xf32>,
    tpu.vector_store %arg5[%swap3A_251], %broadcast_in_dim3A_250 {strides = array<i32>} : memref<1024xf32, #tpu.memory_space<vmem>>, vector<16xf32>,
    %broadcast_in_dim3A_253 = arith.constant 0.000000e+00 : f32
    %broadcast_in_dim3A_254 = vector.broadcast %broadcast_in_dim3A_253 : f32 to vector<16xf32>
    %swap3A_255 = arith.constant 1008 : index
    %swap3A_256 = tpu.vector_load %arg5[%swap3A_255] {strides = array<i32>} : memref<1024xf32, #tpu.memory_space<vmem>>, vector<16xf32>,
    tpu.vector_store %arg5[%swap3A_255], %broadcast_in_dim3A_254 {strides = array<i32>} : memref<1024xf32, #tpu.memory_space<vmem>>, vector<16xf32>,
    %broadcast_in_dim3A_257 = arith.constant 1.000000e+00 : f32
    %broadcast_in_dim3A_258 = vector.broadcast %broadcast_in_dim3A_257 : f32 to vector<16xf32>
    %get3A = arith.constant 0 : index
    %get3A_259 = tpu.vector_load %arg4[%get3A] {strides = array<i32>} : memref<512xi32, #tpu.memory_space<vmem>>, vector<16xi32>,
    tpu.vector_store_idx %arg5[%get3A_259], %broadcast_in_dim3A_258 {add = true} : memref<1024xf32, #tpu.memory_space<vmem>>[vector<16xi32>], vector<16xf32>,
    %get3A_260 = arith.constant 16 : index
    %get3A_261 = tpu.vector_load %arg4[%get3A_260] {strides = array<i32>} : memref<512xi32, #tpu.memory_space<vmem>>, vector<16xi32>,
    tpu.vector_store_idx %arg5[%get3A_261], %broadcast_in_dim3A_258 {add = true} : memref<1024xf32, #tpu.memory_space<vmem>>[vector<16xi32>], vector<16xf32>,
    %get3A_262 = arith.constant 32 : index
    %get3A_263 = tpu.vector_load %arg4[%get3A_262] {strides = array<i32>} : memref<512xi32, #tpu.memory_space<vmem>>, vector<16xi32>,
    tpu.vector_store_idx %arg5[%get3A_263], %broadcast_in_dim3A_258 {add = true} : memref<1024xf32, #tpu.memory_space<vmem>>[vector<16xi32>], vector<16xf32>,
    %get3A_264 = arith.constant 48 : index
    %get3A_265 = tpu.vector_load %arg4[%get3A_264] {strides = array<i32>} : memref<512xi32, #tpu.memory_space<vmem>>, vector<16xi32>,
    tpu.vector_store_idx %arg5[%get3A_265], %broadcast_in_dim3A_258 {add = true} : memref<1024xf32, #tpu.memory_space<vmem>>[vector<16xi32>], vector<16xf32>,
    %get3A_266 = arith.constant 64 : index
    %get3A_267 = tpu.vector_load %arg4[%get3A_266] {strides = array<i32>} : memref<512xi32, #tpu.memory_space<vmem>>, vector<16xi32>,
    tpu.vector_store_idx %arg5[%get3A_267], %broadcast_in_dim3A_258 {add = true} : memref<1024xf32, #tpu.memory_space<vmem>>[vector<16xi32>], vector<16xf32>,
    %get3A_268 = arith.constant 80 : index
    %get3A_269 = tpu.vector_load %arg4[%get3A_268] {strides = array<i32>} : memref<512xi32, #tpu.memory_space<vmem>>, vector<16xi32>,
    tpu.vector_store_idx %arg5[%get3A_269], %broadcast_in_dim3A_258 {add = true} : memref<1024xf32, #tpu.memory_space<vmem>>[vector<16xi32>], vector<16xf32>,
    %get3A_270 = arith.constant 96 : index
    %get3A_271 = tpu.vector_load %arg4[%get3A_270] {strides = array<i32>} : memref<512xi32, #tpu.memory_space<vmem>>, vector<16xi32>,
    tpu.vector_store_idx %arg5[%get3A_271], %broadcast_in_dim3A_258 {add = true} : memref<1024xf32, #tpu.memory_space<vmem>>[vector<16xi32>], vector<16xf32>,
    %get3A_272 = arith.constant 112 : index
    %get3A_273 = tpu.vector_load %arg4[%get3A_272] {strides = array<i32>} : memref<512xi32, #tpu.memory_space<vmem>>, vector<16xi32>,
    tpu.vector_store_idx %arg5[%get3A_273], %broadcast_in_dim3A_258 {add = true} : memref<1024xf32, #tpu.memory_space<vmem>>[vector<16xi32>], vector<16xf32>,
    %get3A_274 = arith.constant 128 : index
    %get3A_275 = tpu.vector_load %arg4[%get3A_274] {strides = array<i32>} : memref<512xi32, #tpu.memory_space<vmem>>, vector<16xi32>,
    tpu.vector_store_idx %arg5[%get3A_275], %broadcast_in_dim3A_258 {add = true} : memref<1024xf32, #tpu.memory_space<vmem>>[vector<16xi32>], vector<16xf32>,
    %get3A_276 = arith.constant 144 : index
    %get3A_277 = tpu.vector_load %arg4[%get3A_276] {strides = array<i32>} : memref<512xi32, #tpu.memory_space<vmem>>, vector<16xi32>,
    tpu.vector_store_idx %arg5[%get3A_277], %broadcast_in_dim3A_258 {add = true} : memref<1024xf32, #tpu.memory_space<vmem>>[vector<16xi32>], vector<16xf32>,
    %get3A_278 = arith.constant 160 : index
    %get3A_279 = tpu.vector_load %arg4[%get3A_278] {strides = array<i32>} : memref<512xi32, #tpu.memory_space<vmem>>, vector<16xi32>,
    tpu.vector_store_idx %arg5[%get3A_279], %broadcast_in_dim3A_258 {add = true} : memref<1024xf32, #tpu.memory_space<vmem>>[vector<16xi32>], vector<16xf32>,
    %get3A_280 = arith.constant 176 : index
    %get3A_281 = tpu.vector_load %arg4[%get3A_280] {strides = array<i32>} : memref<512xi32, #tpu.memory_space<vmem>>, vector<16xi32>,
    tpu.vector_store_idx %arg5[%get3A_281], %broadcast_in_dim3A_258 {add = true} : memref<1024xf32, #tpu.memory_space<vmem>>[vector<16xi32>], vector<16xf32>,
    %get3A_282 = arith.constant 192 : index
    %get3A_283 = tpu.vector_load %arg4[%get3A_282] {strides = array<i32>} : memref<512xi32, #tpu.memory_space<vmem>>, vector<16xi32>,
    tpu.vector_store_idx %arg5[%get3A_283], %broadcast_in_dim3A_258 {add = true} : memref<1024xf32, #tpu.memory_space<vmem>>[vector<16xi32>], vector<16xf32>,
    %get3A_284 = arith.constant 208 : index
    %get3A_285 = tpu.vector_load %arg4[%get3A_284] {strides = array<i32>} : memref<512xi32, #tpu.memory_space<vmem>>, vector<16xi32>,
    tpu.vector_store_idx %arg5[%get3A_285], %broadcast_in_dim3A_258 {add = true} : memref<1024xf32, #tpu.memory_space<vmem>>[vector<16xi32>], vector<16xf32>,
    %get3A_286 = arith.constant 224 : index
    %get3A_287 = tpu.vector_load %arg4[%get3A_286] {strides = array<i32>} : memref<512xi32, #tpu.memory_space<vmem>>, vector<16xi32>,
    tpu.vector_store_idx %arg5[%get3A_287], %broadcast_in_dim3A_258 {add = true} : memref<1024xf32, #tpu.memory_space<vmem>>[vector<16xi32>], vector<16xf32>,
    %get3A_288 = arith.constant 240 : index
    %get3A_289 = tpu.vector_load %arg4[%get3A_288] {strides = array<i32>} : memref<512xi32, #tpu.memory_space<vmem>>, vector<16xi32>,
    tpu.vector_store_idx %arg5[%get3A_289], %broadcast_in_dim3A_258 {add = true} : memref<1024xf32, #tpu.memory_space<vmem>>[vector<16xi32>], vector<16xf32>,
    %get3A_290 = arith.constant 256 : index
    %get3A_291 = tpu.vector_load %arg4[%get3A_290] {strides = array<i32>} : memref<512xi32, #tpu.memory_space<vmem>>, vector<16xi32>,
    tpu.vector_store_idx %arg5[%get3A_291], %broadcast_in_dim3A_258 {add = true} : memref<1024xf32, #tpu.memory_space<vmem>>[vector<16xi32>], vector<16xf32>,
    %get3A_292 = arith.constant 272 : index
    %get3A_293 = tpu.vector_load %arg4[%get3A_292] {strides = array<i32>} : memref<512xi32, #tpu.memory_space<vmem>>, vector<16xi32>,
    tpu.vector_store_idx %arg5[%get3A_293], %broadcast_in_dim3A_258 {add = true} : memref<1024xf32, #tpu.memory_space<vmem>>[vector<16xi32>], vector<16xf32>,
    %get3A_294 = arith.constant 288 : index
    %get3A_295 = tpu.vector_load %arg4[%get3A_294] {strides = array<i32>} : memref<512xi32, #tpu.memory_space<vmem>>, vector<16xi32>,
    tpu.vector_store_idx %arg5[%get3A_295], %broadcast_in_dim3A_258 {add = true} : memref<1024xf32, #tpu.memory_space<vmem>>[vector<16xi32>], vector<16xf32>,
    %get3A_296 = arith.constant 304 : index
    %get3A_297 = tpu.vector_load %arg4[%get3A_296] {strides = array<i32>} : memref<512xi32, #tpu.memory_space<vmem>>, vector<16xi32>,
    tpu.vector_store_idx %arg5[%get3A_297], %broadcast_in_dim3A_258 {add = true} : memref<1024xf32, #tpu.memory_space<vmem>>[vector<16xi32>], vector<16xf32>,
    %get3A_298 = arith.constant 320 : index
    %get3A_299 = tpu.vector_load %arg4[%get3A_298] {strides = array<i32>} : memref<512xi32, #tpu.memory_space<vmem>>, vector<16xi32>,
    tpu.vector_store_idx %arg5[%get3A_299], %broadcast_in_dim3A_258 {add = true} : memref<1024xf32, #tpu.memory_space<vmem>>[vector<16xi32>], vector<16xf32>,
    %get3A_300 = arith.constant 336 : index
    %get3A_301 = tpu.vector_load %arg4[%get3A_300] {strides = array<i32>} : memref<512xi32, #tpu.memory_space<vmem>>, vector<16xi32>,
    tpu.vector_store_idx %arg5[%get3A_301], %broadcast_in_dim3A_258 {add = true} : memref<1024xf32, #tpu.memory_space<vmem>>[vector<16xi32>], vector<16xf32>,
    %get3A_302 = arith.constant 352 : index
    %get3A_303 = tpu.vector_load %arg4[%get3A_302] {strides = array<i32>} : memref<512xi32, #tpu.memory_space<vmem>>, vector<16xi32>,
    tpu.vector_store_idx %arg5[%get3A_303], %broadcast_in_dim3A_258 {add = true} : memref<1024xf32, #tpu.memory_space<vmem>>[vector<16xi32>], vector<16xf32>,
    %get3A_304 = arith.constant 368 : index
    %get3A_305 = tpu.vector_load %arg4[%get3A_304] {strides = array<i32>} : memref<512xi32, #tpu.memory_space<vmem>>, vector<16xi32>,
    tpu.vector_store_idx %arg5[%get3A_305], %broadcast_in_dim3A_258 {add = true} : memref<1024xf32, #tpu.memory_space<vmem>>[vector<16xi32>], vector<16xf32>,
    %get3A_306 = arith.constant 384 : index
    %get3A_307 = tpu.vector_load %arg4[%get3A_306] {strides = array<i32>} : memref<512xi32, #tpu.memory_space<vmem>>, vector<16xi32>,
    tpu.vector_store_idx %arg5[%get3A_307], %broadcast_in_dim3A_258 {add = true} : memref<1024xf32, #tpu.memory_space<vmem>>[vector<16xi32>], vector<16xf32>,
    %get3A_308 = arith.constant 400 : index
    %get3A_309 = tpu.vector_load %arg4[%get3A_308] {strides = array<i32>} : memref<512xi32, #tpu.memory_space<vmem>>, vector<16xi32>,
    tpu.vector_store_idx %arg5[%get3A_309], %broadcast_in_dim3A_258 {add = true} : memref<1024xf32, #tpu.memory_space<vmem>>[vector<16xi32>], vector<16xf32>,
    %get3A_310 = arith.constant 416 : index
    %get3A_311 = tpu.vector_load %arg4[%get3A_310] {strides = array<i32>} : memref<512xi32, #tpu.memory_space<vmem>>, vector<16xi32>,
    tpu.vector_store_idx %arg5[%get3A_311], %broadcast_in_dim3A_258 {add = true} : memref<1024xf32, #tpu.memory_space<vmem>>[vector<16xi32>], vector<16xf32>,
    %get3A_312 = arith.constant 432 : index
    %get3A_313 = tpu.vector_load %arg4[%get3A_312] {strides = array<i32>} : memref<512xi32, #tpu.memory_space<vmem>>, vector<16xi32>,
    tpu.vector_store_idx %arg5[%get3A_313], %broadcast_in_dim3A_258 {add = true} : memref<1024xf32, #tpu.memory_space<vmem>>[vector<16xi32>], vector<16xf32>,
    %get3A_314 = arith.constant 448 : index
    %get3A_315 = tpu.vector_load %arg4[%get3A_314] {strides = array<i32>} : memref<512xi32, #tpu.memory_space<vmem>>, vector<16xi32>,
    tpu.vector_store_idx %arg5[%get3A_315], %broadcast_in_dim3A_258 {add = true} : memref<1024xf32, #tpu.memory_space<vmem>>[vector<16xi32>], vector<16xf32>,
    %get3A_316 = arith.constant 464 : index
    %get3A_317 = tpu.vector_load %arg4[%get3A_316] {strides = array<i32>} : memref<512xi32, #tpu.memory_space<vmem>>, vector<16xi32>,
    tpu.vector_store_idx %arg5[%get3A_317], %broadcast_in_dim3A_258 {add = true} : memref<1024xf32, #tpu.memory_space<vmem>>[vector<16xi32>], vector<16xf32>,
    %get3A_318 = arith.constant 480 : index
    %get3A_319 = tpu.vector_load %arg4[%get3A_318] {strides = array<i32>} : memref<512xi32, #tpu.memory_space<vmem>>, vector<16xi32>,
    tpu.vector_store_idx %arg5[%get3A_319], %broadcast_in_dim3A_258 {add = true} : memref<1024xf32, #tpu.memory_space<vmem>>[vector<16xi32>], vector<16xf32>,
    %get3A_320 = arith.constant 496 : index
    %get3A_321 = tpu.vector_load %arg4[%get3A_320] {strides = array<i32>} : memref<512xi32, #tpu.memory_space<vmem>>, vector<16xi32>,
    tpu.vector_store_idx %arg5[%get3A_321], %broadcast_in_dim3A_258 {add = true} : memref<1024xf32, #tpu.memory_space<vmem>>[vector<16xi32>], vector<16xf32>,
    "tpu.region"() ({
      %run_scoped3A = tpu.sem_alloc : memref<!tpu.dma_semaphore, #tpu.memory_space<semaphore_mem>>
      %dma_start3A = arith.constant 0 : i32
      %dma_start3A_322 = tpu.memref_slice %arg3[%add3A, %dma_start3A] : memref<32x1024xf32, #tpu.memory_space<hbm>> -> memref<1x1024xf32, #tpu.memory_space<hbm>>
      %dma_start3A_323 = tpu.memref_squeeze %dma_start3A_322 : memref<1x1024xf32, #tpu.memory_space<hbm>> -> memref<1024xf32, #tpu.memory_space<hbm>>
      %dma_start3A_324 = arith.constant 0 : i32
      %dma_start3A_325 = tpu.memref_slice %arg3[%add3A, %dma_start3A_324] : memref<32x1024xf32, #tpu.memory_space<hbm>> -> memref<1x1024xf32, #tpu.memory_space<hbm>>
      %dma_start3A_326 = tpu.memref_squeeze %dma_start3A_325 : memref<1x1024xf32, #tpu.memory_space<hbm>> -> memref<1024xf32, #tpu.memory_space<hbm>>
      tpu.enqueue_dma source(%arg5 : memref<1024xf32, #tpu.memory_space<vmem>>) target(%dma_start3A_326 : memref<1024xf32, #tpu.memory_space<hbm>>) target_semaphore(%run_scoped3A : memref<!tpu.dma_semaphore, #tpu.memory_space<semaphore_mem>>)
      %dma_wait3A = arith.constant 0 : i32
      %dma_wait3A_327 = tpu.memref_slice %arg3[%add3A, %dma_wait3A] : memref<32x1024xf32, #tpu.memory_space<hbm>> -> memref<1x1024xf32, #tpu.memory_space<hbm>>
      %dma_wait3A_328 = tpu.memref_squeeze %dma_wait3A_327 : memref<1x1024xf32, #tpu.memory_space<hbm>> -> memref<1024xf32, #tpu.memory_space<hbm>>
      %dma_wait3A_329 = arith.constant 0 : i32
      %dma_wait3A_330 = tpu.memref_slice %arg3[%add3A, %dma_wait3A_329] : memref<32x1024xf32, #tpu.memory_space<hbm>> -> memref<1x1024xf32, #tpu.memory_space<hbm>>
      %dma_wait3A_331 = tpu.memref_squeeze %dma_wait3A_330 : memref<1x1024xf32, #tpu.memory_space<hbm>> -> memref<1024xf32, #tpu.memory_space<hbm>>
      tpu.wait_dma2 semaphore(%run_scoped3A : memref<!tpu.dma_semaphore, #tpu.memory_space<semaphore_mem>>) src(%arg5 : memref<1024xf32, #tpu.memory_space<vmem>>) dst(%dma_wait3A_331 : memref<1024xf32, #tpu.memory_space<hbm>>)
      tpu.yield
    }) : () -> ()
    return
  }
}

module attributes {stable_mosaic.version = 14 : i64} {
  func.func @_vq_body(%arg0: i32, %arg1: memref<1x64x1024xf32, #tpu.memory_space<vmem>>, %arg2: memref<1024x64xf32, #tpu.memory_space<vmem>>, %arg3: memref<1x64x1024xf32, #tpu.memory_space<vmem>>, %arg4: memref<1x1x1024xi32, #tpu.memory_space<vmem>>, %arg5: memref<1x128xf32, #tpu.memory_space<vmem>>, %arg6: memref<64x1024xbf16, #tpu.memory_space<vmem>>, %arg7: memref<1024x64xbf16, #tpu.memory_space<vmem>>, %arg8: memref<1024x1xf32, #tpu.memory_space<vmem>>, %arg9: memref<1024x1xf32, #tpu.memory_space<vmem>>, %arg10: memref<1x1xf32, #tpu.memory_space<vmem>>) attributes {dimension_semantics = [#tpu.dimension_semantics<arbitrary>], iteration_bounds = array<i64: 16>, scalar_prefetch = 0 : i64, scratch_operands = 5 : i64, tpu.core_type = #tpu.core_type<tc>, window_params = [{transform_indices = @transform_0, window_bounds = array<i64: 1, 64, 1024>}, {pipeline_mode = #tpu.pipeline_mode<synchronous>, transform_indices = @transform_1, window_bounds = array<i64: 1024, 64>}, {transform_indices = @transform_2, window_bounds = array<i64: 1, 64, 1024>}, {transform_indices = @transform_3, window_bounds = array<i64: 1, 1, 1024>}, {pipeline_mode = #tpu.pipeline_mode<synchronous>, transform_indices = @transform_4, window_bounds = array<i64: 1, 128>}]} {
    %eq3A = arith.constant 0 : i32
    %eq3A_0 = arith.cmpi eq, %arg0, %eq3A : i32
    %convert_element_type3A = arith.extui %eq3A_0 : i1 to i32
    %cond3A = arith.constant 0 : i32
    %cond3A_1 = arith.cmpi ne, %convert_element_type3A, %cond3A : i32
    scf.if %cond3A_1 {
      %get3A_74 = arith.constant 0 : index
      %get3A_75 = arith.constant 0 : index
      %get3A_76 = vector.load %arg2[%get3A_74, %get3A_75] : memref<1024x64xf32, #tpu.memory_space<vmem>>, vector<1024x64xf32>
      %transpose3A = tpu.transpose %get3A_76, [1, 0] : vector<1024x64xf32> -> vector<64x1024xf32>
      %convert_element_type3A_77 = arith.truncf %transpose3A : vector<64x1024xf32> to vector<64x1024xbf16>
      %swap3A_78 = arith.constant 0 : index
      %swap3A_79 = arith.constant 0 : index
      %swap3A_80 = vector.load %arg6[%swap3A_78, %swap3A_79] : memref<64x1024xbf16, #tpu.memory_space<vmem>>, vector<64x1024xbf16>
      tpu.vector_store %arg6[%swap3A_78, %swap3A_79], %convert_element_type3A_77 {strides = array<i32>} : memref<64x1024xbf16, #tpu.memory_space<vmem>>, vector<64x1024xbf16>,
      %convert_element_type3A_81 = arith.truncf %get3A_76 : vector<1024x64xf32> to vector<1024x64xbf16>
      %mul3A_82 = arith.constant -2.000000e+00 : bf16
      %mul3A_83 = vector.broadcast %mul3A_82 : bf16 to vector<1024x64xbf16>
      %mul3A_84 = arith.mulf %mul3A_83, %convert_element_type3A_81 : vector<1024x64xbf16>
      %swap3A_85 = arith.constant 0 : index
      %swap3A_86 = arith.constant 0 : index
      %swap3A_87 = vector.load %arg7[%swap3A_85, %swap3A_86] : memref<1024x64xbf16, #tpu.memory_space<vmem>>, vector<1024x64xbf16>
      tpu.vector_store %arg7[%swap3A_85, %swap3A_86], %mul3A_84 {strides = array<i32>} : memref<1024x64xbf16, #tpu.memory_space<vmem>>, vector<1024x64xbf16>,
      %mul3A_88 = arith.mulf %get3A_76, %get3A_76 : vector<1024x64xf32>
      %reduce_sum3A_89 = arith.constant dense<0.000000e+00> : vector<1024xf32>
      %reduce_sum3A_90 = vector.multi_reduction <add>, %mul3A_88, %reduce_sum3A_89 [1] : vector<1024x64xf32> to vector<1024xf32>
      %broadcast_in_dim3A_91 = vector.shape_cast %reduce_sum3A_90 : vector<1024xf32> to vector<1024x1xf32>
      %swap3A_92 = arith.constant 0 : index
      %swap3A_93 = arith.constant 0 : index
      %swap3A_94 = vector.load %arg8[%swap3A_92, %swap3A_93] : memref<1024x1xf32, #tpu.memory_space<vmem>>, vector<1024x1xf32>
      tpu.vector_store %arg8[%swap3A_92, %swap3A_93], %broadcast_in_dim3A_91 {strides = array<i32>} : memref<1024x1xf32, #tpu.memory_space<vmem>>, vector<1024x1xf32>,
      %iota3A = tpu.iota {dimensions = array<i32: 0>} : vector<1024x1xi32>
      %convert_element_type3A_95 = arith.sitofp %iota3A : vector<1024x1xi32> to vector<1024x1xf32>
      %swap3A_96 = arith.constant 0 : index
      %swap3A_97 = arith.constant 0 : index
      %swap3A_98 = vector.load %arg9[%swap3A_96, %swap3A_97] : memref<1024x1xf32, #tpu.memory_space<vmem>>, vector<1024x1xf32>
      tpu.vector_store %arg9[%swap3A_96, %swap3A_97], %convert_element_type3A_95 {strides = array<i32>} : memref<1024x1xf32, #tpu.memory_space<vmem>>, vector<1024x1xf32>,
      %broadcast_in_dim3A_99 = arith.constant 0.000000e+00 : f32
      %broadcast_in_dim3A_100 = vector.broadcast %broadcast_in_dim3A_99 : f32 to vector<1x1xf32>
      %swap3A_101 = arith.constant 0 : index
      %swap3A_102 = arith.constant 0 : index
      %swap3A_103 = vector.load %arg10[%swap3A_101, %swap3A_102] : memref<1x1xf32, #tpu.memory_space<vmem>>, vector<1x1xf32>
      tpu.vector_store %arg10[%swap3A_101, %swap3A_102], %broadcast_in_dim3A_100 {strides = array<i32>} : memref<1x1xf32, #tpu.memory_space<vmem>>, vector<1x1xf32>,
    } else {
    }
    %get3A = arith.constant 0 : index
    %get3A_2 = arith.constant 0 : index
    %get3A_3 = arith.constant 0 : index
    %get3A_4 = vector.load %arg1[%get3A, %get3A_2, %get3A_3] : memref<1x64x1024xf32, #tpu.memory_space<vmem>>, vector<1x64x1024xf32>
    %get3A_5 = vector.shape_cast %get3A_4 : vector<1x64x1024xf32> to vector<64x1024xf32>
    %mul3A = arith.mulf %get3A_5, %get3A_5 : vector<64x1024xf32>
    %reduce_sum3A = arith.constant dense<0.000000e+00> : vector<1024xf32>
    %reduce_sum3A_6 = vector.multi_reduction <add>, %mul3A, %reduce_sum3A [0] : vector<64x1024xf32> to vector<1024xf32>
    %broadcast_in_dim3A = vector.shape_cast %reduce_sum3A_6 : vector<1024xf32> to vector<1x1024xf32>
    %get3A_7 = arith.constant 0 : index
    %get3A_8 = arith.constant 0 : index
    %get3A_9 = vector.load %arg7[%get3A_7, %get3A_8] : memref<1024x64xbf16, #tpu.memory_space<vmem>>, vector<1024x64xbf16>
    %convert_element_type3A_10 = arith.truncf %get3A_5 : vector<64x1024xf32> to vector<64x1024xbf16>
    %dot_general3A = arith.constant dense<0.000000e+00> : vector<1024x1024xf32>
    %dot_general3A_11 = tpu.matmul %get3A_9, %convert_element_type3A_10, %dot_general3A {dimension_numbers = #tpu.dot_dimension_numbers<[1], [0], [0], [1], [0, 0, 1, 1], [], []>, transpose_lhs_hint = false} : vector<1024x64xbf16>, vector<64x1024xbf16>, vector<1024x1024xf32> -> vector<1024x1024xf32>
    %get3A_12 = arith.constant 0 : index
    %get3A_13 = arith.constant 0 : index
    %get3A_14 = vector.load %arg8[%get3A_12, %get3A_13] : memref<1024x1xf32, #tpu.memory_space<vmem>>, vector<1024x1xf32>
    %add3A = vector.broadcast %broadcast_in_dim3A : vector<1x1024xf32> to vector<1024x1024xf32>
    %add3A_15 = vector.broadcast %get3A_14 : vector<1024x1xf32> to vector<1024x1024xf32>
    %add3A_16 = arith.addf %add3A, %add3A_15 : vector<1024x1024xf32>
    %add3A_17 = arith.addf %add3A_16, %dot_general3A_11 : vector<1024x1024xf32>
    %reduce_min3A = arith.constant dense<0x7F800000> : vector<1024xf32>
    %reduce_min3A_18 = vector.multi_reduction <minimumf>, %add3A_17, %reduce_min3A [0] : vector<1024x1024xf32> to vector<1024xf32>
    %broadcast_in_dim3A_19 = vector.shape_cast %reduce_min3A_18 : vector<1024xf32> to vector<1x1024xf32>
    %get3A_20 = arith.constant 0 : index
    %get3A_21 = arith.constant 0 : index
    %get3A_22 = vector.load %arg9[%get3A_20, %get3A_21] : memref<1024x1xf32, #tpu.memory_space<vmem>>, vector<1024x1xf32>
    %eq3A_23 = vector.broadcast %broadcast_in_dim3A_19 : vector<1x1024xf32> to vector<1024x1024xf32>
    %eq3A_24 = arith.cmpf oeq, %add3A_17, %eq3A_23 : vector<1024x1024xf32>
    %jit3A = arith.constant 2.048000e+03 : f32
    %broadcast_in_dim3A_25 = vector.shape_cast %get3A_22 : vector<1024x1xf32> to vector<1024x1xf32>
    %broadcast_in_dim3A_26 = vector.broadcast %broadcast_in_dim3A_25 : vector<1024x1xf32> to vector<1024x1024xf32>
    %broadcast_in_dim3A_27 = vector.broadcast %jit3A : f32 to vector<1024x1024xf32>
    %select_n3A = arith.select %eq3A_24, %broadcast_in_dim3A_26, %broadcast_in_dim3A_27 : vector<1024x1024xi1>, vector<1024x1024xf32>
    %reduce_min3A_28 = arith.constant dense<0x7F800000> : vector<1024xf32>
    %reduce_min3A_29 = vector.multi_reduction <minimumf>, %select_n3A, %reduce_min3A_28 [0] : vector<1024x1024xf32> to vector<1024xf32>
    %broadcast_in_dim3A_30 = vector.shape_cast %reduce_min3A_29 : vector<1024xf32> to vector<1x1024xf32>
    %convert_element_type3A_31 = arith.fptosi %broadcast_in_dim3A_30 : vector<1x1024xf32> to vector<1x1024xi32>
    %swap3A = arith.constant 0 : index
    %swap3A_32 = arith.constant 0 : index
    %swap3A_33 = arith.constant 0 : index
    %swap3A_34 = vector.load %arg4[%swap3A, %swap3A_32, %swap3A_33] : memref<1x1x1024xi32, #tpu.memory_space<vmem>>, vector<1x1x1024xi32>
    %swap3A_35 = vector.shape_cast %swap3A_34 : vector<1x1x1024xi32> to vector<1x1024xi32>
    %swap3A_36 = vector.shape_cast %convert_element_type3A_31 : vector<1x1024xi32> to vector<1x1x1024xi32>
    tpu.vector_store %arg4[%swap3A, %swap3A_32, %swap3A_33], %swap3A_36 {strides = array<i32>} : memref<1x1x1024xi32, #tpu.memory_space<vmem>>, vector<1x1x1024xi32>,
    %eq3A_37 = vector.broadcast %get3A_22 : vector<1024x1xf32> to vector<1024x1024xf32>
    %eq3A_38 = vector.broadcast %broadcast_in_dim3A_30 : vector<1x1024xf32> to vector<1024x1024xf32>
    %eq3A_39 = arith.cmpf oeq, %eq3A_37, %eq3A_38 : vector<1024x1024xf32>
    %convert_element_type3A_40 = arith.extui %eq3A_39 : vector<1024x1024xi1> to vector<1024x1024xi32>
    %convert_element_type3A_41 = arith.sitofp %convert_element_type3A_40 : vector<1024x1024xi32> to vector<1024x1024xf32>
    %convert_element_type3A_42 = arith.truncf %convert_element_type3A_41 : vector<1024x1024xf32> to vector<1024x1024xbf16>
    %get3A_43 = arith.constant 0 : index
    %get3A_44 = arith.constant 0 : index
    %get3A_45 = vector.load %arg6[%get3A_43, %get3A_44] : memref<64x1024xbf16, #tpu.memory_space<vmem>>, vector<64x1024xbf16>
    %dot_general3A_46 = arith.constant dense<0.000000e+00> : vector<64x1024xf32>
    %dot_general3A_47 = tpu.matmul %get3A_45, %convert_element_type3A_42, %dot_general3A_46 {dimension_numbers = #tpu.dot_dimension_numbers<[1], [0], [0], [1], [0, 0, 1, 1], [], []>, transpose_lhs_hint = false} : vector<64x1024xbf16>, vector<1024x1024xbf16>, vector<64x1024xf32> -> vector<64x1024xf32>
    %sub3A = arith.subf %dot_general3A_47, %get3A_5 : vector<64x1024xf32>
    %add3A_48 = arith.addf %get3A_5, %sub3A : vector<64x1024xf32>
    %swap3A_49 = arith.constant 0 : index
    %swap3A_50 = arith.constant 0 : index
    %swap3A_51 = arith.constant 0 : index
    %swap3A_52 = vector.load %arg3[%swap3A_49, %swap3A_50, %swap3A_51] : memref<1x64x1024xf32, #tpu.memory_space<vmem>>, vector<1x64x1024xf32>
    %swap3A_53 = vector.shape_cast %swap3A_52 : vector<1x64x1024xf32> to vector<64x1024xf32>
    %swap3A_54 = vector.shape_cast %add3A_48 : vector<64x1024xf32> to vector<1x64x1024xf32>
    tpu.vector_store %arg3[%swap3A_49, %swap3A_50, %swap3A_51], %swap3A_54 {strides = array<i32>} : memref<1x64x1024xf32, #tpu.memory_space<vmem>>, vector<1x64x1024xf32>,
    %get3A_55 = arith.constant 0 : index
    %get3A_56 = arith.constant 0 : index
    %get3A_57 = vector.load %arg10[%get3A_55, %get3A_56] : memref<1x1xf32, #tpu.memory_space<vmem>>, vector<1x1xf32>
    %mul3A_58 = arith.mulf %sub3A, %sub3A : vector<64x1024xf32>
    %reduce_sum3A_59 = vector.shape_cast %mul3A_58 : vector<64x1024xf32> to vector<1x64x1024xf32>
    %reduce_sum3A_60 = arith.constant dense<0.000000e+00> : vector<1xf32>
    %reduce_sum3A_61 = vector.multi_reduction <add>, %reduce_sum3A_59, %reduce_sum3A_60 [1, 2] : vector<1x64x1024xf32> to vector<1xf32>
    %reduce_sum3A_62 = vector.shape_cast %reduce_sum3A_61 : vector<1xf32> to vector<1x1x1xf32>
    %reduce_sum3A_63 = vector.extract %reduce_sum3A_62[0, 0, 0] : f32 from vector<1x1x1xf32>
    %broadcast_in_dim3A_64 = vector.broadcast %reduce_sum3A_63 : f32 to vector<1x1xf32>
    %add3A_65 = arith.addf %get3A_57, %broadcast_in_dim3A_64 : vector<1x1xf32>
    %swap3A_66 = arith.constant 0 : index
    %swap3A_67 = arith.constant 0 : index
    %swap3A_68 = vector.load %arg10[%swap3A_66, %swap3A_67] : memref<1x1xf32, #tpu.memory_space<vmem>>, vector<1x1xf32>
    tpu.vector_store %arg10[%swap3A_66, %swap3A_67], %add3A_65 {strides = array<i32>} : memref<1x1xf32, #tpu.memory_space<vmem>>, vector<1x1xf32>,
    %eq3A_69 = arith.constant 15 : i32
    %eq3A_70 = arith.cmpi eq, %arg0, %eq3A_69 : i32
    %convert_element_type3A_71 = arith.extui %eq3A_70 : i1 to i32
    %cond3A_72 = arith.constant 0 : i32
    %cond3A_73 = arith.cmpi ne, %convert_element_type3A_71, %cond3A_72 : i32
    scf.if %cond3A_73 {
      %get3A_74 = arith.constant 0 : index
      %get3A_75 = arith.constant 0 : index
      %get3A_76 = vector.load %arg10[%get3A_74, %get3A_75] : memref<1x1xf32, #tpu.memory_space<vmem>>, vector<1x1xf32>
      %mul3A_77 = arith.constant 1.250000e+00 : f32
      %mul3A_78 = vector.broadcast %mul3A_77 : f32 to vector<1x1xf32>
      %mul3A_79 = arith.mulf %mul3A_78, %get3A_76 : vector<1x1xf32>
      %div3A = arith.constant 0x49800000 : f32
      %div3A_80 = vector.broadcast %div3A : f32 to vector<1x1xf32>
      %div3A_81 = arith.divf %mul3A_79, %div3A_80 : vector<1x1xf32>
      %broadcast_in_dim3A_82 = vector.shape_cast %div3A_81 : vector<1x1xf32> to vector<1x1xf32>
      %broadcast_in_dim3A_83 = vector.broadcast %broadcast_in_dim3A_82 : vector<1x1xf32> to vector<1x128xf32>
      %swap3A_84 = arith.constant 0 : index
      %swap3A_85 = arith.constant 0 : index
      %swap3A_86 = vector.load %arg5[%swap3A_84, %swap3A_85] : memref<1x128xf32, #tpu.memory_space<vmem>>, vector<1x128xf32>
      tpu.vector_store %arg5[%swap3A_84, %swap3A_85], %broadcast_in_dim3A_83 {strides = array<i32>} : memref<1x128xf32, #tpu.memory_space<vmem>>, vector<1x128xf32>,
    } else {
    }
    return
  }
  func.func @transform_0(%arg0: i32) -> (i32, i32, i32) {
    %c0_i32 = arith.constant 0 : i32
    %c0_i32_0 = arith.constant 0 : i32
    %c0_i32_1 = arith.constant 0 : i32
    return %arg0, %c0_i32, %c0_i32_0 : i32, i32, i32
  }
  func.func @transform_1(%arg0: i32) -> (i32, i32) {
    %c0_i32 = arith.constant 0 : i32
    %c0_i32_0 = arith.constant 0 : i32
    %c0_i32_1 = arith.constant 0 : i32
    return %c0_i32, %c0_i32_0 : i32, i32
  }
  func.func @transform_2(%arg0: i32) -> (i32, i32, i32) {
    %c0_i32 = arith.constant 0 : i32
    %c0_i32_0 = arith.constant 0 : i32
    %c0_i32_1 = arith.constant 0 : i32
    return %arg0, %c0_i32, %c0_i32_0 : i32, i32, i32
  }
  func.func @transform_3(%arg0: i32) -> (i32, i32, i32) {
    %c0_i32 = arith.constant 0 : i32
    %c0_i32_0 = arith.constant 0 : i32
    %c0_i32_1 = arith.constant 0 : i32
    return %arg0, %c0_i32, %c0_i32_0 : i32, i32, i32
  }
  func.func @transform_4(%arg0: i32) -> (i32, i32) {
    %c0_i32 = arith.constant 0 : i32
    %c0_i32_0 = arith.constant 0 : i32
    %c0_i32_1 = arith.constant 0 : i32
    return %c0_i32, %c0_i32_0 : i32, i32
  }
}

module attributes {stable_mosaic.version = 14 : i64} {
  func.func @_perp_body(%arg0: memref<32x1024xf32, #tpu.memory_space<vmem>>, %arg1: memref<1x128xf32, #tpu.memory_space<vmem>>) attributes {dimension_semantics = [], scalar_prefetch = 0 : i64, scratch_operands = 0 : i64, tpu.core_type = #tpu.core_type<tc>} {
    %get3A = arith.constant 0 : index
    %get3A_0 = arith.constant 0 : index
    %get3A_1 = vector.load %arg0[%get3A, %get3A_0] : memref<32x1024xf32, #tpu.memory_space<vmem>>, vector<32x1024xf32>
    %reduce_sum3A = arith.constant dense<0.000000e+00> : vector<1024xf32>
    %reduce_sum3A_2 = vector.multi_reduction <add>, %get3A_1, %reduce_sum3A [0] : vector<32x1024xf32> to vector<1024xf32>
    %broadcast_in_dim3A = vector.shape_cast %reduce_sum3A_2 : vector<1024xf32> to vector<1x1024xf32>
    %mul3A = arith.constant 6.10351563E-5 : f32
    %mul3A_3 = vector.broadcast %mul3A : f32 to vector<1x1024xf32>
    %mul3A_4 = arith.mulf %broadcast_in_dim3A, %mul3A_3 : vector<1x1024xf32>
    %add3A = arith.constant 1.000000e-10 : f32
    %add3A_5 = vector.broadcast %add3A : f32 to vector<1x1024xf32>
    %add3A_6 = arith.addf %mul3A_4, %add3A_5 : vector<1x1024xf32>
    %log3A = math.log %add3A_6 : vector<1x1024xf32>
    %mul3A_7 = arith.mulf %mul3A_4, %log3A : vector<1x1024xf32>
    %reduce_sum3A_8 = arith.constant dense<0.000000e+00> : vector<1xf32>
    %reduce_sum3A_9 = vector.multi_reduction <add>, %mul3A_7, %reduce_sum3A_8 [1] : vector<1x1024xf32> to vector<1xf32>
    %broadcast_in_dim3A_10 = vector.shape_cast %reduce_sum3A_9 : vector<1xf32> to vector<1x1xf32>
    %neg3A = arith.constant 0.000000e+00 : f32
    %neg3A_11 = vector.broadcast %neg3A : f32 to vector<1x1xf32>
    %neg3A_12 = arith.subf %neg3A_11, %broadcast_in_dim3A_10 : vector<1x1xf32>
    %exp3A = math.exp %neg3A_12 : vector<1x1xf32>
    %broadcast_in_dim3A_13 = vector.shape_cast %exp3A : vector<1x1xf32> to vector<1x1xf32>
    %broadcast_in_dim3A_14 = vector.broadcast %broadcast_in_dim3A_13 : vector<1x1xf32> to vector<1x128xf32>
    %swap3A = arith.constant 0 : index
    %swap3A_15 = arith.constant 0 : index
    %swap3A_16 = vector.load %arg1[%swap3A, %swap3A_15] : memref<1x128xf32, #tpu.memory_space<vmem>>, vector<1x128xf32>
    tpu.vector_store %arg1[%swap3A, %swap3A_15], %broadcast_in_dim3A_14 {strides = array<i32>} : memref<1x128xf32, #tpu.memory_space<vmem>>, vector<1x128xf32>,
    return
  }
}

</mosaic_0001>

<sc_bundles>
// kernel: kernel.5.cloned.1.call-start
scs
__scs_entry_jumppad:
0x0: {  	(pc) =	sbr.rel $0x88, $3  }
0x1: {  	(tag) =	ssettag $0x0;
	lr =	simm.s32 $0x1  }
0x2: {  	[smem:$0x3F9F] =	sst lr;
	_ =	strace $0xD0000000  }
0x3: {  	_ = 	snop  }
0x4: {  	_ = 	snop  }
0x5: {  	_ = 	snop  }
0x6: {  	_ = 	snop  }
0x7: {  	_ = 	snop  }
__scs_overlays_trampoline_lowered:
0x8: {  	[smem:$0x3FAE] =	sst s0  }
0x9: {  	[smem:$0x3FAF] =	sst s1  }
0xa: {  	[smem:$0x3FB0] =	sst s2  }
0xb: {  	[smem:$0x3FB1] =	sst s3  }
0xc: {  	[smem:$0x3FB2] =	sst s4  }
0xd: {  	[smem:$0x3FB3] =	sst s5  }
0xe: {  	[smem:$0x3FB4] =	sst s6  }
0xf: {  	[smem:$0x3FB5] =	sst s7  }
0x10: {  	[smem:$0x3FB6] =	sst s8  }
0x11: {  	[smem:$0x3FB7] =	sst s9;
	s0 =	simm.s32 @!p0 $0x0  }
0x12: {  	s1 =	sld [smem:$0x3F9D];
	s0 =	simm.s32 @p0 $0x1  }
0x13: {  	[smem:$0x3FB8] =	sst s0;
	s0 =	simm.s32 @!p1 $0x0  }
0x14: {  	s2 =	sld [smem:$0x3F9C];
	s0 =	simm.s32 @p1 $0x1  }
0x15: {  	[smem:$0x3FB9] =	sst s0;
	s0 =	simm.s32 @!p2 $0x0  }
0x16: {  	s3 =	sld [smem:$0x3FDB];
	s0 =	simm.s32 @p2 $0x1  }
0x17: {  	s4 =	simm.s32 $0x1BF5;
	[smem:$0x3FBB] =	sst s0  }
0x18: {  	s0 =	sld [smem:$0x3F9E];
	_ =	swait.ge [sflag:s4], $0x0  }
0x19: {  	s7 =	sld [smem:$0x3F9F]  }
0x1a: {  	s8 =	sadd.s32 $0xFFFFE003, lr  }
0x1b: {  	s9 =	sadd.s32 $0xFFFFFEF7, lr;
	s5 =	simm.s32 $0xFFFFFFFF;
	p2 =	slt.u32 s8, $0xFFFFF086  }
0x1c: {  	p1 =	slt.u32 s9, $0xF7A;
	s5 =	simm.s32 @!p2 $0x0  }
0x1d: {  	s5 =	simm.s32 @p1 $0x1;
	p0 =	seq.s32 s7, s2  }
0x1e: {  	s7 =	smul.u32 @!p0 $0xF7A, s2;
	p2 =	seq.s32 @!p0 s5, $0x0  }
0x1f: {  	s9 =	smul.u32 $0xF7A, s1;
	s8 =	simm.s32 @!p0 $0x1BF5;
	p2 =	por !p2, p0  }
0x20: {  	[sflag:s8] =	ssyncset.s32 @!p0 $0xFFFFF086;
	s6 =	sadd.s32 @!p0 s3, s7;
	s7 =	simm.s32 @!p0 $0x108  }
0x21: {  	s3 =	sadd.s32 s3, s9;
	s6 =	sadd.s32 @!p0 $0x88, s6;
	s7 =	simm.s32 @p2 $0x1082  }
0x22: {  	[simem:s7], [sflag:s8] =	dma.local @!p0 [hbm:s6], $0xF7A  }
0x23: {  	s9 =	sor.u32 $0xD0000000, s2;
	s6 =	simm.s32 $0x108;
	_ =	swait.ge @!p0 [sflag:s8], $0x0  }
0x24: {  	s3 =	sadd.s32 $0x88, s3;
	s6 =	simm.s32 @!p1 $0x1082;
	[sflag:s4] =	ssyncset.s32 $0xFFFFF086  }
0x25: {  	[simem:s6], [sflag:s4] =	dma.local [hbm:s3], $0xF7A  }
0x26: {  	[smem:$0x3F9F] =	sst s1;
	(tag) =	ssettag s2;
	_ =	strace s9  }
0x27: {  	s1 =	sld [smem:$0x3FAF]  }
0x28: {  	s2 =	sld [smem:$0x3FB0]  }
0x29: {  	s4 =	sld [smem:$0x3FB2]  }
0x2a: {  	p0 =	seq.s32 s5, $0x0;
	s5 =	sld [smem:$0x3FB3]  }
0x2b: {  	s6 =	sld [smem:$0x3FB4]  }
0x2c: {  	s7 =	sld [smem:$0x3FB5]  }
0x2d: {  	s3 =	simm.s32 $0x108;
	s8 =	sld [smem:$0x3FB6]  }
0x2e: {  	s3 =	simm.s32 @!p0 $0x1082;
	s9 =	sld [smem:$0x3FB7]  }
0x2f: {  	lr =	sadd.s32 s0, s3;
	s0 =	sld [smem:$0x3FAE]  }
0x30: {  	s3 =	sld [smem:$0x3FB1]  }
0x31: {  	[smem:$0x3FBA] =	sst s10  }
0x32: {  	s10 =	sld [smem:$0x3FB8];
	_ =	sdelay $0x3  }
0x33: {  	p0 =	seq.s32 s10, $0x1;
	s10 =	sld [smem:$0x3FBA];
	_ =	sdelay $0x3  }
0x34: {  	[smem:$0x3FBA] =	sst s10  }
0x35: {  	s10 =	sld [smem:$0x3FB9];
	_ =	sdelay $0x3  }
0x36: {  	p1 =	seq.s32 s10, $0x1;
	s10 =	sld [smem:$0x3FBA];
	_ =	sdelay $0x3  }
0x37: {  	[smem:$0x3FBA] =	sst s10  }
0x38: {  	s10 =	sld [smem:$0x3FBB]  }
0x39: {  	_ = 	snop;
	(pc) =	sbr.ind lr, $3  }
0x3a: {  	_ = 	snop  }
0x3b: {  	_ = 	snop  }
0x3c: {  	p2 =	seq.s32 s10, $0x1;
	s10 =	sld [smem:$0x3FBA]  }
0x3d: {  	_ =	shalt  }
0x3e: {  	_ =	shalt  }
0x3f: {  	_ =	shalt  }
0x40: {  	_ =	shalt  }
0x41: {  	_ =	shalt  }
0x42: {  	_ =	shalt  }
0x43: {  	_ =	shalt  }
0x44: {  	_ =	shalt  }
0x45: {  	_ =	shalt  }
0x46: {  	_ =	shalt  }
0x47: {  	_ =	shalt  }
0x48: {  	_ =	shalt  }
0x49: {  	_ =	shalt  }
0x4a: {  	_ =	shalt  }
0x4b: {  	_ =	shalt  }
0x4c: {  	_ =	shalt  }
0x4d: {  	_ =	shalt  }
0x4e: {  	_ =	shalt  }
0x4f: {  	_ =	shalt  }
0x50: {  	_ =	shalt  }
0x51: {  	_ =	shalt  }
0x52: {  	_ =	shalt  }
0x53: {  	_ =	shalt  }
0x54: {  	_ =	shalt  }
0x55: {  	_ =	shalt  }
0x56: {  	_ =	shalt  }
0x57: {  	_ =	shalt  }
0x58: {  	_ =	shalt  }
0x59: {  	_ =	shalt  }
0x5a: {  	_ =	shalt  }
0x5b: {  	_ =	shalt  }
0x5c: {  	_ =	shalt  }
0x5d: {  	_ =	shalt  }
0x5e: {  	_ =	shalt  }
0x5f: {  	_ =	shalt  }
0x60: {  	_ =	shalt  }
0x61: {  	_ =	shalt  }
0x62: {  	_ =	shalt  }
0x63: {  	_ =	shalt  }
0x64: {  	_ =	shalt  }
0x65: {  	_ =	shalt  }
0x66: {  	_ =	shalt  }
0x67: {  	_ =	shalt  }
0x68: {  	_ =	shalt  }
0x69: {  	_ =	shalt  }
0x6a: {  	_ =	shalt  }
0x6b: {  	_ =	shalt  }
0x6c: {  	_ =	shalt  }
0x6d: {  	_ =	shalt  }
0x6e: {  	_ =	shalt  }
0x6f: {  	_ =	shalt  }
0x70: {  	_ =	shalt  }
0x71: {  	_ =	shalt  }
0x72: {  	_ =	shalt  }
0x73: {  	_ =	shalt  }
0x74: {  	_ =	shalt  }
0x75: {  	_ =	shalt  }
0x76: {  	_ =	shalt  }
0x77: {  	_ =	shalt  }
0x78: {  	_ =	shalt  }
0x79: {  	_ =	shalt  }
0x7a: {  	_ =	shalt  }
0x7b: {  	_ =	shalt  }
0x7c: {  	_ =	shalt  }
0x7d: {  	_ =	shalt  }
0x7e: {  	_ =	shalt  }
0x7f: {  	_ =	shalt  }
0x80: {  	_ =	shalt  }
0x81: {  	_ =	shalt  }
0x82: {  	_ =	shalt  }
0x83: {  	_ =	shalt  }
0x84: {  	_ =	shalt  }
0x85: {  	_ =	shalt  }
0x86: {  	_ =	shalt  }
0x87: {  	_ =	shalt  }
.Lfunc_end0:
.L_simem_size_0:
called_computation_lowered:
.L_overlay_start_0:
0x88: {  	s2 =	sld [smem:$0x3FD9]  }
0x89: {  	s3 =	sld [smem:$0x3FFE];
	_ =	sdelay $0x1  }
0x8a: {  	s1 =	srdreg.scid  }
0x8b: {  	s0 =	sand.u32 $0x1, s1  }
0x8c: {  	s16 =	sshll.u32 s0, $0xA;
	s2 =	sadd.s32 s3, s2  }
0x8d: {  	s2 =	sadd.s32 s2, s16  }
0x8e: {  	[smem:$0x3FC6] =	sst s2  }
0x8f: {  	_ = 	snop  }
0x90: {  	(tm) =	ssettm $0x1  }
0x91: {  	s17 =	sld [smem:$0x3FFB];
	_ =	sdelay $0x3  }
0x92: {  	_ =	strace s17  }
0x93: {  	s2 =	sld [smem:$0x3FFC];
	_ =	sdelay $0x3  }
0x94: {  	_ =	strace s2  }
0x95: {  	s2 =	sld [smem:$0x3FFD];
	_ =	sdelay $0x3  }
0x96: {  	_ =	strace s2  }
0x97: {  	_ =	strace $0x8FFFFFFF  }
0x98: {  	s18 =	sld [smem:$0x3FDB];
	_ =	sdelay $0x1  }
0x99: {  	s19 =	simm.s32 $_scs_section_size  }
0x9a: {  	s4 =	simm.s32 $_size__tile_overlayer_lowered;
	s5 =	simm.s32 $_tile_overlayer_lowered  }
0x9b: {  	s22 =	simm.s32 $0x1BFF;
	s21 =	sshll.u32 s5, $0x1;
	s2 =	sadd.s32 s19, s18  }
0x9c: {  	s6 =	simm.s32 $0x0;
	s20 =	sshll.u32 s4, $0x1;
	s4 =	sadd.s32 s21, s2  }
0x9d: {  	[timem:s6], [sflag:s22] =	dma.local [hbm:s4], s20  }
0x9e: {  	_ =	swait.ge [sflag:s22], s20  }
0x9f: {  	s3 =	ssub.s32 $0x0, s20;
	[sflag:s22] =	ssyncset.done $0x0  }
0xa0: {  	[sflag:s22] =	ssyncadd.s32 s3;
	_ =	sdelay $0x1  }
0xa1: {  	s23 =	simm.s32 $0x1B8B  }
0xa2: {  	_ =	swait.ge [sflag:s23], $0x1  }
0xa3: {  	[sflag:s23] =	ssyncset.done $0x0  }
0xa4: {  	s25 =	simm.s32 $0x1B8E;
	s24 =	sld [smem:$0x3FFE];
	[sflag:s23] =	ssyncadd.s32 $0xFFFFFFFF  }
0xa5: {  	s26 =	simm.s32 $execute0_lowered;
	[smem:$0x3FD2] =	sst s25  }
0xa6: {  	s4 =	sshll.u32 s26, $0x1;
	_ =	strace $0x80000046;
	[dreg:$0x1] =	wrdreg $0xFFFFFFFF  }
0xa7: {  	s28 =	simm.s32 $_size_execute0_lowered;
	s2 =	sadd.s32 s2, s4;
	[dreg:$0x0] =	wrdreg $0x0  }
0xa8: {  	s4 =	sshll.u32 s28, $0x1;
	[dreg:$0x2] =	wrdreg s2  }
0xa9: {  	[dreg:$0x3] =	wrdreg s4  }
0xaa: {  	[dreg:$0x4] =	wrdreg $0xC0  }
0xab: {  	_ =	task [dreg:s6], $0x5FFFF  }
0xac: {  	[dreg:$0x1] =	wrdreg $0xFFFFFFFF  }
0xad: {  	[dreg:$0x0] =	wrdreg $0x60  }
0xae: {  	[dreg:$0x2] =	wrdreg s24  }
0xaf: {  	[dreg:$0x3] =	wrdreg $0x9  }
0xb0: {  	_ =	task.clear_ibuf [dreg:s6], $0x4FFFF;
	_ =	strace $0x90000046  }
0xb1: {  	s29 =	simm.s32 $0x9;
	_ =	strace $0x80000048  }
0xb2: {  	_ =	swait.ge [sflag:s29], $0x1  }
0xb3: {  	[sflag:s29] =	ssyncadd.s32 $0xFFFFFFFF  }
0xb4: {  	_ =	strace $0x90000048  }
0xb5: {  	_ =	sfence  }
0xb6: {  	s30 =	sld [smem:$0x0];
	_ =	sdelay $0x2  }
0xb7: {  	s31 =	sshll.u32 s1, $0xD;
	s1 =	sshrl.u32 s1, $0x2  }
0xb8: {  	s3 =	sand.u32 $0x4000, s31;
	s1 =	sadd.s32 s1, s30  }
0xb9: {  	s0 =	sor.u32 s3, s0;
	s1 =	sshll.u32 s1, $0x11  }
0xba: {  	s0 =	sor.u32 s1, s0  }
0xbb: {  	s0 =	sadd.s32 $0x8F2B, s0  }
0xbc: {  	[sflag:s0] =	ssyncadd.remote.s32 $0x1  }
0xbd: {  	_ =	sfence.sel $0xFFFF  }
0xbe: {  	[dreg:$0x0] =	wrdreg $0xFFFFFFFF;
	(pc) =	sbr.abs _section_cstart, $3  }
0xbf: {  	[dreg:$0x1] =	wrdreg $0xFFFFFFFF  }
0xc0: {  	_ =	task.clear_ibuf [dreg:s6], $0x2FFFF;
	_ =	strace $0x9FFFFFFF  }
0xc1: {  	(tm) =	ssettm $0x7FFFFFFF  }
tec
execute0_lowered:
.L_overlay_start_1:
0x0: {  	(tag) =	ssettag $0x1  }
0x1: {  	s1 =	srdreg.scid  }
0x2: {  	s0 =	stileid.u32;
	s3 =	rddreg [dreg:$0x0];
	s2 =	simm.s32 $0x0  }
0x3: {  	s9 =	simm.s32 $0x400;
	s4 =	sand.u32 $0x1, s1;
	s1 =	rddreg [dreg:$0x1]  }
0x4: {  	s5 =	sshll.u32 s0, $0x1;
	[smem:$0x7FF] =	sst s2;
	s7 =	sshll.u32 s0, $0x8  }
0x5: {  	s5 =	sor.u32 s4, s5;
	_ =	strace $0x80000047;
	s7 =	sand.u32 $0xC00, s7  }
0x6: {  	s4 =	ssub.s32 $0x2, s4;
	s6 =	sshll.u32 s5, $0x6;
	s5 =	sshll.u32 s5, $0x4  }
0x7: {  	s7 =	sadd.s32 s7, s3;
	s30 =	sshrl.u32 s4, $0x1;
	s6 =	sadd.s32 s6, s3  }
0x8: {  	s5 =	sand.u32 $0x70, s5;
	s8 =	ssub.s32 s4, s30;
	s3 =	sadd.s32 $0xA00, s6  }
0x9: {  	s31 =	sadd.s32 s5, s7;
	s5 =	smax.u32 s8, $0x1;
	s6 =	simm.s32 $0x1  }
0xa: {  	v0 =	vimm.f32 $0.0e+00;
	v1 =	vimm.f32 $1.000000000e+00;
	s7 =	simm.s32 $0x200;
	s8 =	simm.s32 $0x80;
	s4 =	sadd.s32 $0x1200, s31  }
.LBB2_1:
0xb: {  	[tilespmem:s2], [sflag:$0x1] =	stream.linear.gather [hbm4b:s3+s2], $0x200, $0x38;
	[tilespmem:$0x600] =	vst v63  }
0xc: {  	_ =	swait.ge [sflag:s6], $0x200  }
0xd: {  	[sflag:s6] =	ssyncset.done $0x0  }
0xe: {  	[sflag:s6] =	ssyncadd.s32 $0xFFFFFE00  }
0xf: {  	[tilespmem:$0x200] =	vst v0  }
0x10: {  	[tilespmem:$0x210] =	vst v0  }
0x11: {  	[tilespmem:$0x220] =	vst v0  }
0x12: {  	[tilespmem:$0x230] =	vst v0  }
0x13: {  	[tilespmem:$0x240] =	vst v0  }
0x14: {  	[tilespmem:$0x250] =	vst v0  }
0x15: {  	[tilespmem:$0x260] =	vst v0  }
0x16: {  	[tilespmem:$0x270] =	vst v0  }
0x17: {  	[tilespmem:$0x280] =	vst v0  }
0x18: {  	[tilespmem:$0x290] =	vst v0  }
0x19: {  	[tilespmem:$0x2A0] =	vst v0  }
0x1a: {  	[tilespmem:$0x2B0] =	vst v0  }
0x1b: {  	[tilespmem:$0x2C0] =	vst v0  }
0x1c: {  	[tilespmem:$0x2D0] =	vst v0  }
0x1d: {  	[tilespmem:$0x2E0] =	vst v0  }
0x1e: {  	[tilespmem:$0x2F0] =	vst v0  }
0x1f: {  	[tilespmem:$0x300] =	vst v0  }
0x20: {  	[tilespmem:$0x310] =	vst v0  }
0x21: {  	[tilespmem:$0x320] =	vst v0  }
0x22: {  	[tilespmem:$0x330] =	vst v0  }
0x23: {  	[tilespmem:$0x340] =	vst v0  }
0x24: {  	[tilespmem:$0x350] =	vst v0  }
0x25: {  	[tilespmem:$0x360] =	vst v0  }
0x26: {  	[tilespmem:$0x370] =	vst v0  }
0x27: {  	[tilespmem:$0x380] =	vst v0  }
0x28: {  	[tilespmem:$0x390] =	vst v0  }
0x29: {  	[tilespmem:$0x3A0] =	vst v0  }
0x2a: {  	[tilespmem:$0x3B0] =	vst v0  }
0x2b: {  	[tilespmem:$0x3C0] =	vst v0  }
0x2c: {  	[tilespmem:$0x3D0] =	vst v0  }
0x2d: {  	[tilespmem:$0x3E0] =	vst v0  }
0x2e: {  	[tilespmem:$0x3F0] =	vst v0  }
0x2f: {  	[tilespmem:$0x400] =	vst v0  }
0x30: {  	[tilespmem:$0x410] =	vst v0  }
0x31: {  	[tilespmem:$0x420] =	vst v0  }
0x32: {  	[tilespmem:$0x430] =	vst v0  }
0x33: {  	[tilespmem:$0x440] =	vst v0  }
0x34: {  	[tilespmem:$0x450] =	vst v0  }
0x35: {  	[tilespmem:$0x460] =	vst v0  }
0x36: {  	[tilespmem:$0x470] =	vst v0  }
0x37: {  	[tilespmem:$0x480] =	vst v0  }
0x38: {  	[tilespmem:$0x490] =	vst v0  }
0x39: {  	[tilespmem:$0x4A0] =	vst v0  }
0x3a: {  	[tilespmem:$0x4B0] =	vst v0  }
0x3b: {  	[tilespmem:$0x4C0] =	vst v0  }
0x3c: {  	[tilespmem:$0x4D0] =	vst v0  }
0x3d: {  	[tilespmem:$0x4E0] =	vst v0  }
0x3e: {  	[tilespmem:$0x4F0] =	vst v0  }
0x3f: {  	[tilespmem:$0x500] =	vst v0  }
0x40: {  	[tilespmem:$0x510] =	vst v0  }
0x41: {  	[tilespmem:$0x520] =	vst v0  }
0x42: {  	[tilespmem:$0x530] =	vst v0  }
0x43: {  	[tilespmem:$0x540] =	vst v0  }
0x44: {  	[tilespmem:$0x550] =	vst v0  }
0x45: {  	[tilespmem:$0x560] =	vst v0  }
0x46: {  	[tilespmem:$0x570] =	vst v0  }
0x47: {  	[tilespmem:$0x580] =	vst v0;
	v2 =	vld [tilespmem:$0x0]  }
0x48: {  	[tilespmem:$0x590] =	vst v0  }
0x49: {  	[tilespmem:$0x5A0] =	vst v0  }
0x4a: {  	[tilespmem:$0x5B0] =	vst v0  }
0x4b: {  	[tilespmem:$0x5C0] =	vst v0  }
0x4c: {  	[tilespmem:$0x5D0] =	vst v0  }
0x4d: {  	[tilespmem:$0x5E0] =	vst v0  }
0x4e: {  	[tilespmem:$0x5F0] =	vst v0  }
0x4f: {  	[tilespmem:v2+s7+$0x0] =	vst.idx.add.f32.msk $0xffff, v1  }
0x50: {  	v2 =	vld [tilespmem:$0x10];
	_ =	sdelay $0x7  }
0x51: {  	[tilespmem:v2+s7+$0x0] =	vst.idx.add.f32.msk $0xffff, v1  }
0x52: {  	v2 =	vld [tilespmem:$0x20];
	_ =	sdelay $0x7  }
0x53: {  	[tilespmem:v2+s7+$0x0] =	vst.idx.add.f32.msk $0xffff, v1  }
0x54: {  	v2 =	vld [tilespmem:$0x30];
	_ =	sdelay $0x7  }
0x55: {  	[tilespmem:v2+s7+$0x0] =	vst.idx.add.f32.msk $0xffff, v1  }
0x56: {  	v2 =	vld [tilespmem:$0x40];
	_ =	sdelay $0x7  }
0x57: {  	[tilespmem:v2+s7+$0x0] =	vst.idx.add.f32.msk $0xffff, v1  }
0x58: {  	v2 =	vld [tilespmem:$0x50];
	_ =	sdelay $0x7  }
0x59: {  	[tilespmem:v2+s7+$0x0] =	vst.idx.add.f32.msk $0xffff, v1  }
0x5a: {  	v2 =	vld [tilespmem:$0x60];
	_ =	sdelay $0x7  }
0x5b: {  	[tilespmem:v2+s7+$0x0] =	vst.idx.add.f32.msk $0xffff, v1  }
0x5c: {  	v2 =	vld [tilespmem:$0x70];
	_ =	sdelay $0x7  }
0x5d: {  	[tilespmem:v2+s7+$0x0] =	vst.idx.add.f32.msk $0xffff, v1  }
0x5e: {  	v2 =	vld [tilespmem:$0x80];
	_ =	sdelay $0x7  }
0x5f: {  	[tilespmem:v2+s7+$0x0] =	vst.idx.add.f32.msk $0xffff, v1  }
0x60: {  	v2 =	vld [tilespmem:$0x90];
	_ =	sdelay $0x7  }
0x61: {  	[tilespmem:v2+s7+$0x0] =	vst.idx.add.f32.msk $0xffff, v1  }
0x62: {  	v2 =	vld [tilespmem:$0xA0];
	_ =	sdelay $0x7  }
0x63: {  	[tilespmem:v2+s7+$0x0] =	vst.idx.add.f32.msk $0xffff, v1  }
0x64: {  	v2 =	vld [tilespmem:$0xB0];
	_ =	sdelay $0x7  }
0x65: {  	[tilespmem:v2+s7+$0x0] =	vst.idx.add.f32.msk $0xffff, v1  }
0x66: {  	v2 =	vld [tilespmem:$0xC0];
	_ =	sdelay $0x7  }
0x67: {  	[tilespmem:v2+s7+$0x0] =	vst.idx.add.f32.msk $0xffff, v1  }
0x68: {  	v2 =	vld [tilespmem:$0xD0];
	_ =	sdelay $0x7  }
0x69: {  	[tilespmem:v2+s7+$0x0] =	vst.idx.add.f32.msk $0xffff, v1  }
0x6a: {  	v2 =	vld [tilespmem:$0xE0];
	_ =	sdelay $0x7  }
0x6b: {  	[tilespmem:v2+s7+$0x0] =	vst.idx.add.f32.msk $0xffff, v1  }
0x6c: {  	v2 =	vld [tilespmem:$0xF0];
	_ =	sdelay $0x7  }
0x6d: {  	[tilespmem:v2+s7+$0x0] =	vst.idx.add.f32.msk $0xffff, v1  }
0x6e: {  	v2 =	vld [tilespmem:$0x100];
	_ =	sdelay $0x7  }
0x6f: {  	[tilespmem:v2+s7+$0x0] =	vst.idx.add.f32.msk $0xffff, v1  }
0x70: {  	v2 =	vld [tilespmem:$0x110];
	_ =	sdelay $0x7  }
0x71: {  	[tilespmem:v2+s7+$0x0] =	vst.idx.add.f32.msk $0xffff, v1  }
0x72: {  	v2 =	vld [tilespmem:$0x120];
	_ =	sdelay $0x7  }
0x73: {  	[tilespmem:v2+s7+$0x0] =	vst.idx.add.f32.msk $0xffff, v1  }
0x74: {  	v2 =	vld [tilespmem:$0x130];
	_ =	sdelay $0x7  }
0x75: {  	[tilespmem:v2+s7+$0x0] =	vst.idx.add.f32.msk $0xffff, v1  }
0x76: {  	v2 =	vld [tilespmem:$0x140];
	_ =	sdelay $0x7  }
0x77: {  	[tilespmem:v2+s7+$0x0] =	vst.idx.add.f32.msk $0xffff, v1  }
0x78: {  	v2 =	vld [tilespmem:$0x150];
	_ =	sdelay $0x7  }
0x79: {  	[tilespmem:v2+s7+$0x0] =	vst.idx.add.f32.msk $0xffff, v1  }
0x7a: {  	v2 =	vld [tilespmem:$0x160];
	_ =	sdelay $0x7  }
0x7b: {  	[tilespmem:v2+s7+$0x0] =	vst.idx.add.f32.msk $0xffff, v1  }
0x7c: {  	v2 =	vld [tilespmem:$0x170];
	_ =	sdelay $0x7  }
0x7d: {  	[tilespmem:v2+s7+$0x0] =	vst.idx.add.f32.msk $0xffff, v1  }
0x7e: {  	v2 =	vld [tilespmem:$0x180];
	_ =	sdelay $0x7  }
0x7f: {  	[tilespmem:v2+s7+$0x0] =	vst.idx.add.f32.msk $0xffff, v1  }
0x80: {  	v2 =	vld [tilespmem:$0x190];
	_ =	sdelay $0x7  }
0x81: {  	[tilespmem:v2+s7+$0x0] =	vst.idx.add.f32.msk $0xffff, v1  }
0x82: {  	v2 =	vld [tilespmem:$0x1A0];
	_ =	sdelay $0x7  }
0x83: {  	[tilespmem:v2+s7+$0x0] =	vst.idx.add.f32.msk $0xffff, v1  }
0x84: {  	v2 =	vld [tilespmem:$0x1B0];
	_ =	sdelay $0x7  }
0x85: {  	[tilespmem:v2+s7+$0x0] =	vst.idx.add.f32.msk $0xffff, v1  }
0x86: {  	v2 =	vld [tilespmem:$0x1C0];
	_ =	sdelay $0x7  }
0x87: {  	[tilespmem:v2+s7+$0x0] =	vst.idx.add.f32.msk $0xffff, v1  }
0x88: {  	v2 =	vld [tilespmem:$0x1D0];
	_ =	sdelay $0x7  }
0x89: {  	[tilespmem:v2+s7+$0x0] =	vst.idx.add.f32.msk $0xffff, v1  }
0x8a: {  	v2 =	vld [tilespmem:$0x1E0];
	_ =	sdelay $0x7  }
0x8b: {  	[tilespmem:v2+s7+$0x0] =	vst.idx.add.f32.msk $0xffff, v1  }
0x8c: {  	v2 =	vld [tilespmem:$0x1F0];
	_ =	sdelay $0x6  }
0x8d: {  	p0 =	sne.s32 s5, $0x1  }
.Ltmp0:
0x8e: {  	[tilespmem:v2+s7+$0x0] =	vst.idx.add.f32.msk $0xffff, v1;
	(pc) =	sbr.rel @p0 .LBB2_1-.Ltmp0, $4  }
0x8f: {  	[hbm4b:s4+s8] =	stream.strided.scatter [tilespmem:s7], [sflag:$0x1], $0x400, s9, s8, $0x38;
	[tilespmem:$0x600] =	vst v63  }
0x90: {  	_ =	swait.ge [sflag:s6], $0x400  }
0x91: {  	[sflag:s6] =	ssyncset.done $0x0  }
0x92: {  	s5 =	sadd.s32 $0xFFFFFFFF, s5;
	[sflag:s6] =	ssyncadd.s32 $0xFFFFFC00  }
0x93: {  	_ =	sfence.sel $0x180000  }
0x94: {  	[bflag:$0x0] =	sbarrier.arrive $0xFFFF  }
0x95: {  	p0 =	sne.s32 s0, $0x0;
	_ =	strace $0x90000047  }
0x96: {  	s0 =	sadd.s32 @!p0 $0x100000, s1;
	[bflag:$0x2] =	sbarrier.arrive $0xFFFF  }
0x97: {  	[sflag:s0] =	ssyncadd.tile.s32 @!p0 $0x1;
	_ =	shalt  }
.Lfunc_end2:
_tile_overlayer_lowered:
.L_overlay_start_2:
0x98: {  	(tag) =	ssettag $0x2  }
0x99: {  	s0 =	rddreg [dreg:$0x0];
	s2 =	stileid.u32  }
0x9a: {  	s1 =	rddreg [dreg:$0x1];
	p0 =	sne.s32 s2, $0x0  }
0x9b: {  	s3 =	rddreg [dreg:$0x2];
	[bflag:$0x3] =	sbarrier.arrive $0xFFFF;
	s2 =	simm.s32 @!p0 $0x1C01  }
0x9c: {  	[timem:s3], [sflag:s2] =	dma.local @!p0 [hbm:s0], s1  }
0x9d: {  	s0 =	simm.s32 @!p0 $0x1  }
0x9e: {  	_ =	swait.ge @!p0 [sflag:s0], s1  }
0x9f: {  	s1 =	ssub.s32 @!p0 $0x0, s1;
	[sflag:s0] =	ssyncset.done @!p0 $0x0  }
0xa0: {  	[sflag:s0] =	ssyncadd.s32 @!p0 s1  }
0xa1: {  	[bflag:$0x3] =	sbarrier.arrive $0xFFFF  }
0xa2: {  	_ =	shalt  }

</sc_bundles>
